<compile_context>
chip_gen: v7x
topology: tpu7x:2x2x1
jax: 0.10.2.dev20260603
libtpu: 0.0.44.dev20260713+nightly
codegen_flags: <defaults>
</compile_context>

<pallas_src>
import functools

import jax
import jax.numpy as jnp
from jax import lax
from jax.experimental import pallas as pl
from jax.experimental.pallas import tpu as pltpu
from jax.experimental.pallas import tpu_sc as plsc

N = 8192
M = 32
B = 256
D = 256
DE_OUT = 64
DH_E = 128
DH_R = 64
NEXP = 8
DIN = D + DE_OUT
DH = 512
VOCAB = 200
ROUTE_FILTER = 0.05
ALPHA, BETA, THRESH = 0.1, 0.02, 0.01

G2 = 8
STEPS = B // G2
E_TOT = B * M * M


_NC, _NS = 2, 16
_NW = _NC * _NS
_BPW = N // _NW


def _sc_gather(emb, z):
    mesh = plsc.VectorSubcoreMesh(core_axis_name="c", subcore_axis_name="s")

    @functools.partial(
        pl.kernel, mesh=mesh,
        out_type=jax.ShapeDtypeStruct((N, D), jnp.float32),
        scratch_types=[
            pltpu.VMEM((_BPW,), jnp.int32),
            pltpu.VMEM((_BPW, D), jnp.float32),
            pltpu.SemaphoreType.DMA,
        ],
    )
    def gk(emb_hbm, z_hbm, out_hbm, idx_v, rows_v, sem):
        wid = lax.axis_index("s") * _NC + lax.axis_index("c")
        base = wid * _BPW
        pltpu.sync_copy(z_hbm.at[pl.ds(base, _BPW)], idx_v)
        pltpu.async_copy(emb_hbm.at[idx_v], rows_v, sem).wait()
        pltpu.sync_copy(rows_v, out_hbm.at[pl.ds(base, _BPW)])

    return gk(emb, z)


def _ln(x, g, b):
    mu = jnp.mean(x, -1, keepdims=True)
    var = jnp.mean((x - mu) ** 2, -1, keepdims=True)
    return (x - mu) / jnp.sqrt(var + 1e-5) * g + b


def _silu(x):
    return x * jax.nn.sigmoid(x)


def _scalar_mlp_hidden(ewc, W1, b1, g1, be1):
    a = W1[...]
    b = b1[...]
    am = jnp.mean(a, -1, keepdims=True)
    bm = jnp.mean(b, -1, keepdims=True)
    ap = a - am
    bp = b - bm
    ma = jnp.mean(ap * ap, -1, keepdims=True)
    mab = jnp.mean(ap * bp, -1, keepdims=True)
    mb = jnp.mean(bp * bp, -1, keepdims=True)
    A = ap * g1[...]
    Bv = bp * g1[...]
    var = (ewc * ewc) * ma + (2.0 * ewc) * mab + mb
    invs = jax.lax.rsqrt(var + 1e-5)
    ln = (ewc * invs) * A + invs * Bv + be1[...]
    return _silu(ln)


def _fused_kernel(
    x_ref, px_ref, py_ref, pz_ref,
    rW1_ref, rb1_ref, rg1_ref, rbe1_ref, rW2_ref, rb2_ref,
    eW1_ref, eb1_ref, eg1_ref, ebe1_ref, eW2_ref, eb2_ref,
    sW1_ref, sb1_ref, sg1_ref, sbe1_ref, sW2_ref, sb2_ref,
    xW1_ref, xb1_ref, xg1_ref, xbe1_ref, xW2_ref, xb2_ref,
    pW_ref, pb_ref,
    out_ref, lb_ref,
    sacc_ref,
):
    pid = pl.program_id(0)

    @pl.when(pid == 0)
    def _init():
        sacc_ref[...] = jnp.zeros_like(sacc_ref)

    x = x_ref[...]

    px = px_ref[...]
    py = py_ref[...]
    pz = pz_ref[...]
    dx = px[:, :, None] - px[:, None, :]
    dy = py[:, :, None] - py[:, None, :]
    dz = pz[:, :, None] - pz[:, None, :]
    ew = jnp.sqrt(dx * dx + dy * dy + dz * dz + 1e-12)
    ewc = ew[:, :, :, None]

    rh = _scalar_mlp_hidden(ewc, rW1_ref, rb1_ref, rg1_ref, rbe1_ref)
    rh_f = rh.reshape(G2 * M * M, DH_R)
    logits = jnp.dot(rh_f, rW2_ref[...],
                     preferred_element_type=jnp.float32) + rb2_ref[...]
    route = jax.nn.softmax(logits, axis=-1)

    s8 = jnp.sum(route, axis=0).reshape(1, NEXP)
    ssq = jnp.sum(route * route).reshape(1, 1)
    sacc_ref[0:1, 0:NEXP] += s8
    sacc_ref[0:1, NEXP:NEXP + 1] += ssq

    eh = _scalar_mlp_hidden(ewc, eW1_ref, eb1_ref, eg1_ref, ebe1_ref)
    ea_f = jnp.dot(eh.reshape(G2 * M * M, DH_E), eW2_ref[...],
                   preferred_element_type=jnp.float32) + eb2_ref[...]
    ea = ea_f.reshape(G2, M, M, DE_OUT)

    w4 = jnp.where(route > ROUTE_FILTER, route, 0.0).reshape(G2, M, M, NEXP)

    xg = x.reshape(G2, M, D)
    sum_x = jnp.sum(xg, axis=1, keepdims=True)
    h0_x = jnp.broadcast_to(sum_x, (G2, M, D))
    h0_ea = jnp.sum(ea, axis=2)
    h0 = jnp.concatenate([h0_x, h0_ea], axis=-1).reshape(G2 * M, DIN)

    t = jnp.dot(h0, sW1_ref[...], preferred_element_type=jnp.float32) + sb1_ref[...]
    t = _silu(_ln(t, sg1_ref[...], sbe1_ref[...]))
    acc = jnp.dot(t, sW2_ref[...], preferred_element_type=jnp.float32) + sb2_ref[...]

    wT = jnp.transpose(w4, (0, 3, 1, 2)).reshape(G2, NEXP * M, M)
    hx_all = jnp.einsum('gkm,gmd->gkd', wT, xg,
                        preferred_element_type=jnp.float32)
    hx_all = hx_all.reshape(G2, NEXP, M, D)
    for e in range(NEXP):
        hx = hx_all[:, e]
        hea = jnp.sum(w4[:, :, :, e:e + 1] * ea, axis=2)
        h = jnp.concatenate([hx, hea], axis=-1).reshape(G2 * M, DIN)
        prev = jnp.dot(x, pW_ref[e], preferred_element_type=jnp.float32) + pb_ref[e:e + 1]
        hin = h + prev
        t = jnp.dot(hin, xW1_ref[e], preferred_element_type=jnp.float32) + xb1_ref[e:e + 1]
        t = _silu(_ln(t, xg1_ref[e:e + 1], xbe1_ref[e:e + 1]))
        acc = acc + jnp.dot(t, xW2_ref[e], preferred_element_type=jnp.float32) + xb2_ref[e:e + 1]

    out_ref[...] = acc

    @pl.when(pid == STEPS - 1)
    def _fin():
        s = sacc_ref[0:1, 0:NEXP] * (1.0 / E_TOT)
        frac = 1.0 / NEXP
        eb = (jnp.sum(s * s, keepdims=True) - frac) * (1.0 / (1.0 - frac))
        unc = 1.0 - sacc_ref[0:1, NEXP:NEXP + 1] * (1.0 / E_TOT)
        t_ = (ALPHA + BETA) * THRESH
        unf = ALPHA * eb + BETA * unc
        lb_ref[...] = (jnp.maximum(unf, t_) - t_) * ((ALPHA + BETA) / (ALPHA + BETA - t_))


@functools.partial(jax.jit, static_argnames=())
def _run(z, pos, p):
    x = _sc_gather(p['emb'], z.astype(jnp.int32))
    px = pos[:, 0].reshape(B, M)
    py = pos[:, 1].reshape(B, M)
    pz = pos[:, 2].reshape(B, M)

    r2 = lambda a: a.reshape(1, -1)

    full = lambda arr: pl.BlockSpec(arr.shape, lambda i: (0,) * arr.ndim)

    ins = [
        (x, pl.BlockSpec((G2 * M, D), lambda i: (i, 0))),
        (px, pl.BlockSpec((G2, M), lambda i: (i, 0))),
        (py, pl.BlockSpec((G2, M), lambda i: (i, 0))),
        (pz, pl.BlockSpec((G2, M), lambda i: (i, 0))),
        (p['router_W1'], None), (r2(p['router_b1']), None), (r2(p['router_g1']), None), (r2(p['router_be1']), None),
        (p['router_W2'], None), (r2(p['router_b2']), None),
        (p['edge_W1'], None), (r2(p['edge_b1']), None), (r2(p['edge_g1']), None), (r2(p['edge_be1']), None),
        (p['edge_W2'], None), (r2(p['edge_b2']), None),
        (p['shared_W1'], None), (r2(p['shared_b1']), None), (r2(p['shared_g1']), None), (r2(p['shared_be1']), None),
        (p['shared_W2'], None), (r2(p['shared_b2']), None),
        (p['expert_W1'], None), (p['expert_b1'], None), (p['expert_g1'], None), (p['expert_be1'], None),
        (p['expert_W2'], None), (p['expert_b2'], None),
        (p['proj_W'], None), (p['proj_b'], None),
    ]
    arrays = [a for a, _ in ins]
    specs = [s if s is not None else full(a) for a, s in ins]

    out, lb = pl.pallas_call(
        _fused_kernel,
        grid=(STEPS,),
        in_specs=specs,
        out_specs=[
            pl.BlockSpec((G2 * M, D), lambda i: (i, 0)),
            pl.BlockSpec((1, 1), lambda i: (0, 0)),
        ],
        out_shape=[
            jax.ShapeDtypeStruct((N, D), jnp.float32),
            jax.ShapeDtypeStruct((1, 1), jnp.float32),
        ],
        scratch_shapes=[pltpu.VMEM((1, 128), jnp.float32)],
    )(*arrays)
    return out, lb[0, 0]


def kernel(z, pos, batch, params):
    return _run(z, pos, params)

# --- scband reference (transcript-rebuilt; emitter-appended) ---
"""Pipeline reference for scband-mo-gin14-48266842472589 (READ-ONLY COPY).

The authoritative reference and input builder live on the scoring server;
editing this copy changes nothing except your own understanding.
"""

import jax, jax.numpy as jnp
import numpy as np

N = 8192
M = 32
B = 256
D = 256
DE_OUT = 64
DH_E = 128
DH_R = 64
NEXP = 8
DIN = D + DE_OUT
DH = 512
VOCAB = 200
ROUTE_FILTER = 0.05
ALPHA, BETA, THRESH = 0.1, 0.02, 0.01

def _xavier(key, fin, fout):
    lim = float(np.sqrt(6.0 / (fin + fout)))
    return jax.random.uniform(key, (fin, fout), minval=-lim, maxval=lim, dtype=jnp.float32)

def setup_inputs(seed: int = 0):
    key = jax.random.key(seed)
    ks = jax.random.split(key, 40)
    z = jax.random.randint(ks[0], (N,), 0, VOCAB)
    pos = jax.random.uniform(ks[1], (N, 3), dtype=jnp.float32)
    batch = jnp.repeat(jnp.arange(B), M)
    p = {}
    p['emb'] = jax.random.normal(ks[2], (VOCAB, D), dtype=jnp.float32)
    p['router_W1'] = _xavier(ks[3], 1, DH_R); p['router_b1'] = jnp.zeros((DH_R,)); p['router_g1'] = jnp.ones((DH_R,)); p['router_be1'] = jnp.zeros((DH_R,))
    p['router_W2'] = _xavier(ks[4], DH_R, NEXP); p['router_b2'] = jnp.zeros((NEXP,))
    p['edge_W1'] = _xavier(ks[5], 1, DH_E); p['edge_b1'] = jnp.zeros((DH_E,)); p['edge_g1'] = jnp.ones((DH_E,)); p['edge_be1'] = jnp.zeros((DH_E,))
    p['edge_W2'] = _xavier(ks[6], DH_E, DE_OUT); p['edge_b2'] = jnp.zeros((DE_OUT,))
    p['shared_W1'] = _xavier(ks[7], DIN, DH); p['shared_b1'] = jnp.zeros((DH,)); p['shared_g1'] = jnp.ones((DH,)); p['shared_be1'] = jnp.zeros((DH,))
    p['shared_W2'] = _xavier(ks[8], DH, D); p['shared_b2'] = jnp.zeros((D,))
    p['expert_W1'] = jnp.stack([_xavier(ks[9 + e], DIN, DH) for e in range(NEXP)])
    p['expert_b1'] = jnp.zeros((NEXP, DH)); p['expert_g1'] = jnp.ones((NEXP, DH)); p['expert_be1'] = jnp.zeros((NEXP, DH))
    p['expert_W2'] = jnp.stack([_xavier(ks[17 + e], DH, D) for e in range(NEXP)])
    p['expert_b2'] = jnp.zeros((NEXP, D))
    p['proj_W'] = jnp.stack([_xavier(ks[25 + e], D, DIN) for e in range(NEXP)])
    p['proj_b'] = jnp.zeros((NEXP, DIN))
    return {'z': z, 'pos': pos, 'batch': batch, 'params': p}

def _ln(x, g, b):
    mu = jnp.mean(x, -1, keepdims=True)
    var = jnp.var(x, -1, keepdims=True)
    return (x - mu) / jnp.sqrt(var + 1e-5) * g + b

def _silu(x):
    return x * jax.nn.sigmoid(x)

def _mlp(x, W1, b1, g1, be1, W2, b2):
    h = x @ W1 + b1
    h = _ln(h, g1, be1)
    h = _silu(h)
    return h @ W2 + b2

def _edges():
    ii, jj = np.meshgrid(np.arange(M), np.arange(M), indexing='ij')
    ii = ii.reshape(-1); jj = jj.reshape(-1)
    keep = ii != jj
    ls = ii[keep]; ld = jj[keep]
    off = (np.arange(B) * M)[:, None]
    src = (off + ls[None, :]).reshape(-1)
    dst = (off + ld[None, :]).reshape(-1)
    loops = np.arange(N)
    return jnp.asarray(np.concatenate([src, loops])), jnp.asarray(np.concatenate([dst, loops]))

def _lb_loss(route):
    frac = 1.0 / route.shape[-1]
    eb = (jnp.sum(jnp.mean(route, -2) ** 2) - frac) * (1.0 / (1.0 - frac))
    unc = 1.0 - jnp.mean(jnp.sum(route ** 2, -1))
    t = (ALPHA + BETA) * THRESH
    unf = ALPHA * eb + BETA * unc
    return (jnp.maximum(unf, t) - t) * ((ALPHA + BETA) / (ALPHA + BETA - t))

def _forward(z, pos, src, dst, p):
    x = p['emb'][z]
    d = pos[src] - pos[dst]
    ew = jnp.sqrt(jnp.sum(d * d, -1) + 1e-12)
    ea_raw = ew[:, None]
    route = jax.nn.softmax(_mlp(ea_raw, p['router_W1'], p['router_b1'], p['router_g1'], p['router_be1'], p['router_W2'], p['router_b2']), -1)
    lb = _lb_loss(route)
    ea = _mlp(ea_raw, p['edge_W1'], p['edge_b1'], p['edge_g1'], p['edge_be1'], p['edge_W2'], p['edge_b2'])
    msg0 = jnp.concatenate([x[src], ea], -1)
    h0 = jax.ops.segment_sum(msg0, dst, num_segments=N)
    out = _mlp(h0, p['shared_W1'], p['shared_b1'], p['shared_g1'], p['shared_be1'], p['shared_W2'], p['shared_b2'])
    for e in range(NEXP):
        prev = x @ p['proj_W'][e] + p['proj_b'][e]
        w = route[:, e]
        weff = jnp.where(w > ROUTE_FILTER, w, 0.0)
        h = jax.ops.segment_sum(msg0 * weff[:, None], dst, num_segments=N)
        out = out + _mlp(h + prev, p['expert_W1'][e], p['expert_b1'][e], p['expert_g1'][e], p['expert_be1'][e], p['expert_W2'][e], p['expert_b2'][e])
    return out, lb

def reference(z, pos, batch, params):
    src, dst = _edges()
    out, lb = _forward(z, pos, src, dst, params)
    return (out, lb)

if __name__ == "__main__":
    import jax
    _d = setup_inputs()
    print(jax.jit(kernel)(*tuple(_d.values())))

</pallas_src>

<mosaic_0001>
#map = affine_map<(d0, d1) -> (0, 0)>
#map1 = affine_map<(d0, d1) -> (0)>
module attributes {stable_mosaic.version = 14 : i64} {
  func.func @gk(%arg0: i32, %arg1: i32, %arg2: memref<200x256xf32, #tpu.memory_space<hbm>>, %arg3: memref<8192xi32, #tpu.memory_space<hbm>>, %arg4: memref<8192x256xf32, #tpu.memory_space<hbm>>, %arg5: memref<256xi32, #tpu.memory_space<vmem>>, %arg6: memref<256x256xf32, #tpu.memory_space<vmem>>, %arg7: memref<!tpu.dma_semaphore, #tpu.memory_space<semaphore_mem>>) attributes {dimension_semantics = [#tpu.dimension_semantics<core_parallel>, #tpu.dimension_semantics<subcore_parallel>], iteration_bounds = array<i64: 2, 16>, scalar_prefetch = 0 : i64, scratch_operands = 3 : i64, tpu.core_type = #tpu.core_type<sc_vector_subcore>, window_params = [{transform_indices = #map}, {transform_indices = #map1}, {transform_indices = #map}]} {
    %mul3A = arith.constant 2 : i32
    %mul3A_0 = arith.muli %arg1, %mul3A : i32
    %add3A = arith.addi %mul3A_0, %arg0 : i32
    %mul3A_1 = arith.constant 256 : i32
    %mul3A_2 = arith.muli %add3A, %mul3A_1 : i32
    "tpu.region"() ({
      %run_scoped3A = tpu.sem_alloc : memref<!tpu.dma_semaphore, #tpu.memory_space<semaphore_mem>>
      %dma_start3A_7 = tpu.memref_slice %arg3[%mul3A_2] : memref<8192xi32, #tpu.memory_space<hbm>> -> memref<256xi32, #tpu.memory_space<hbm>>
      %dma_start3A_8 = tpu.memref_slice %arg3[%mul3A_2] : memref<8192xi32, #tpu.memory_space<hbm>> -> memref<256xi32, #tpu.memory_space<hbm>>
      tpu.enqueue_dma source(%dma_start3A_8 : memref<256xi32, #tpu.memory_space<hbm>>) target(%arg5 : memref<256xi32, #tpu.memory_space<vmem>>) target_semaphore(%run_scoped3A : memref<!tpu.dma_semaphore, #tpu.memory_space<semaphore_mem>>)
      %dma_wait3A_9 = tpu.memref_slice %arg3[%mul3A_2] : memref<8192xi32, #tpu.memory_space<hbm>> -> memref<256xi32, #tpu.memory_space<hbm>>
      %dma_wait3A_10 = tpu.memref_slice %arg3[%mul3A_2] : memref<8192xi32, #tpu.memory_space<hbm>> -> memref<256xi32, #tpu.memory_space<hbm>>
      tpu.wait_dma2 semaphore(%run_scoped3A : memref<!tpu.dma_semaphore, #tpu.memory_space<semaphore_mem>>) src(%dma_wait3A_10 : memref<256xi32, #tpu.memory_space<hbm>>) dst(%arg5 : memref<256xi32, #tpu.memory_space<vmem>>)
      tpu.yield
    }) : () -> ()
    %dma_start3A = arith.constant 0 : i32
    %dma_start3A_3 = arith.constant 0 : i32
    %dma_start3A_4 = tpu.memref_slice %arg2[%dma_start3A, %dma_start3A_3] : memref<200x256xf32, #tpu.memory_space<hbm>> -> memref<200x256xf32, #tpu.memory_space<hbm>>
    tpu.enqueue_indirect_dma source(%dma_start3A_4 : memref<200x256xf32, #tpu.memory_space<hbm>>) target(%arg6 : memref<256x256xf32, #tpu.memory_space<vmem>>) offsets(%arg5 : memref<256xi32, #tpu.memory_space<vmem>>) semaphore(%arg7 : memref<!tpu.dma_semaphore, #tpu.memory_space<semaphore_mem>>)
    %dma_wait3A = arith.constant 0 : i32
    %dma_wait3A_5 = arith.constant 0 : i32
    %dma_wait3A_6 = tpu.memref_slice %arg2[%dma_wait3A, %dma_wait3A_5] : memref<200x256xf32, #tpu.memory_space<hbm>> -> memref<200x256xf32, #tpu.memory_space<hbm>>
    tpu.wait_indirect_dma semaphore(%arg7 : memref<!tpu.dma_semaphore, #tpu.memory_space<semaphore_mem>>) src(%dma_wait3A_6 : memref<200x256xf32, #tpu.memory_space<hbm>>) dst(%arg6 : memref<256x256xf32, #tpu.memory_space<vmem>>)
    "tpu.region"() ({
      %run_scoped3A = tpu.sem_alloc : memref<!tpu.dma_semaphore, #tpu.memory_space<semaphore_mem>>
      %dma_start3A_7 = arith.constant 0 : i32
      %dma_start3A_8 = tpu.memref_slice %arg4[%mul3A_2, %dma_start3A_7] : memref<8192x256xf32, #tpu.memory_space<hbm>> -> memref<256x256xf32, #tpu.memory_space<hbm>>
      %dma_start3A_9 = arith.constant 0 : i32
      %dma_start3A_10 = tpu.memref_slice %arg4[%mul3A_2, %dma_start3A_9] : memref<8192x256xf32, #tpu.memory_space<hbm>> -> memref<256x256xf32, #tpu.memory_space<hbm>>
      tpu.enqueue_dma source(%arg6 : memref<256x256xf32, #tpu.memory_space<vmem>>) target(%dma_start3A_10 : memref<256x256xf32, #tpu.memory_space<hbm>>) target_semaphore(%run_scoped3A : memref<!tpu.dma_semaphore, #tpu.memory_space<semaphore_mem>>)
      %dma_wait3A_11 = arith.constant 0 : i32
      %dma_wait3A_12 = tpu.memref_slice %arg4[%mul3A_2, %dma_wait3A_11] : memref<8192x256xf32, #tpu.memory_space<hbm>> -> memref<256x256xf32, #tpu.memory_space<hbm>>
      %dma_wait3A_13 = arith.constant 0 : i32
      %dma_wait3A_14 = tpu.memref_slice %arg4[%mul3A_2, %dma_wait3A_13] : memref<8192x256xf32, #tpu.memory_space<hbm>> -> memref<256x256xf32, #tpu.memory_space<hbm>>
      tpu.wait_dma2 semaphore(%run_scoped3A : memref<!tpu.dma_semaphore, #tpu.memory_space<semaphore_mem>>) src(%arg6 : memref<256x256xf32, #tpu.memory_space<vmem>>) dst(%dma_wait3A_14 : memref<256x256xf32, #tpu.memory_space<hbm>>)
      tpu.yield
    }) : () -> ()
    return
  }
}

module attributes {stable_mosaic.version = 14 : i64} {
  func.func @_fused_kernel(%arg0: i32, %arg1: memref<256x256xf32, #tpu.memory_space<vmem>>, %arg2: memref<8x32xf32, #tpu.memory_space<vmem>>, %arg3: memref<8x32xf32, #tpu.memory_space<vmem>>, %arg4: memref<8x32xf32, #tpu.memory_space<vmem>>, %arg5: memref<1x64xf32, #tpu.memory_space<vmem>>, %arg6: memref<1x64xf32, #tpu.memory_space<vmem>>, %arg7: memref<1x64xf32, #tpu.memory_space<vmem>>, %arg8: memref<1x64xf32, #tpu.memory_space<vmem>>, %arg9: memref<64x8xf32, #tpu.memory_space<vmem>>, %arg10: memref<1x8xf32, #tpu.memory_space<vmem>>, %arg11: memref<1x128xf32, #tpu.memory_space<vmem>>, %arg12: memref<1x128xf32, #tpu.memory_space<vmem>>, %arg13: memref<1x128xf32, #tpu.memory_space<vmem>>, %arg14: memref<1x128xf32, #tpu.memory_space<vmem>>, %arg15: memref<128x64xf32, #tpu.memory_space<vmem>>, %arg16: memref<1x64xf32, #tpu.memory_space<vmem>>, %arg17: memref<320x512xf32, #tpu.memory_space<vmem>>, %arg18: memref<1x512xf32, #tpu.memory_space<vmem>>, %arg19: memref<1x512xf32, #tpu.memory_space<vmem>>, %arg20: memref<1x512xf32, #tpu.memory_space<vmem>>, %arg21: memref<512x256xf32, #tpu.memory_space<vmem>>, %arg22: memref<1x256xf32, #tpu.memory_space<vmem>>, %arg23: memref<8x320x512xf32, #tpu.memory_space<vmem>>, %arg24: memref<8x512xf32, #tpu.memory_space<vmem>>, %arg25: memref<8x512xf32, #tpu.memory_space<vmem>>, %arg26: memref<8x512xf32, #tpu.memory_space<vmem>>, %arg27: memref<8x512x256xf32, #tpu.memory_space<vmem>>, %arg28: memref<8x256xf32, #tpu.memory_space<vmem>>, %arg29: memref<8x256x320xf32, #tpu.memory_space<vmem>>, %arg30: memref<8x320xf32, #tpu.memory_space<vmem>>, %arg31: memref<256x256xf32, #tpu.memory_space<vmem>>, %arg32: memref<1x1xf32, #tpu.memory_space<vmem>>, %arg33: memref<1x128xf32, #tpu.memory_space<vmem>>) attributes {dimension_semantics = [#tpu.dimension_semantics<arbitrary>], iteration_bounds = array<i64: 32>, scalar_prefetch = 0 : i64, scratch_operands = 1 : i64, tpu.core_type = #tpu.core_type<tc>, window_params = [{transform_indices = @transform_0, window_bounds = array<i64: 256, 256>}, {transform_indices = @transform_1, window_bounds = array<i64: 8, 32>}, {transform_indices = @transform_2, window_bounds = array<i64: 8, 32>}, {transform_indices = @transform_3, window_bounds = array<i64: 8, 32>}, {pipeline_mode = #tpu.pipeline_mode<synchronous>, transform_indices = @transform_4, window_bounds = array<i64: 1, 64>}, {pipeline_mode = #tpu.pipeline_mode<synchronous>, transform_indices = @transform_5, window_bounds = array<i64: 1, 64>}, {pipeline_mode = #tpu.pipeline_mode<synchronous>, transform_indices = @transform_6, window_bounds = array<i64: 1, 64>}, {pipeline_mode = #tpu.pipeline_mode<synchronous>, transform_indices = @transform_7, window_bounds = array<i64: 1, 64>}, {pipeline_mode = #tpu.pipeline_mode<synchronous>, transform_indices = @transform_8, window_bounds = array<i64: 64, 8>}, {pipeline_mode = #tpu.pipeline_mode<synchronous>, transform_indices = @transform_9, window_bounds = array<i64: 1, 8>}, {pipeline_mode = #tpu.pipeline_mode<synchronous>, transform_indices = @transform_10, window_bounds = array<i64: 1, 128>}, {pipeline_mode = #tpu.pipeline_mode<synchronous>, transform_indices = @transform_11, window_bounds = array<i64: 1, 128>}, {pipeline_mode = #tpu.pipeline_mode<synchronous>, transform_indices = @transform_12, window_bounds = array<i64: 1, 128>}, {pipeline_mode = #tpu.pipeline_mode<synchronous>, transform_indices = @transform_13, window_bounds = array<i64: 1, 128>}, {pipeline_mode = #tpu.pipeline_mode<synchronous>, transform_indices = @transform_14, window_bounds = array<i64: 128, 64>}, {pipeline_mode = #tpu.pipeline_mode<synchronous>, transform_indices = @transform_15, window_bounds = array<i64: 1, 64>}, {pipeline_mode = #tpu.pipeline_mode<synchronous>, transform_indices = @transform_16, window_bounds = array<i64: 320, 512>}, {pipeline_mode = #tpu.pipeline_mode<synchronous>, transform_indices = @transform_17, window_bounds = array<i64: 1, 512>}, {pipeline_mode = #tpu.pipeline_mode<synchronous>, transform_indices = @transform_18, window_bounds = array<i64: 1, 512>}, {pipeline_mode = #tpu.pipeline_mode<synchronous>, transform_indices = @transform_19, window_bounds = array<i64: 1, 512>}, {pipeline_mode = #tpu.pipeline_mode<synchronous>, transform_indices = @transform_20, window_bounds = array<i64: 512, 256>}, {pipeline_mode = #tpu.pipeline_mode<synchronous>, transform_indices = @transform_21, window_bounds = array<i64: 1, 256>}, {pipeline_mode = #tpu.pipeline_mode<synchronous>, transform_indices = @transform_22, window_bounds = array<i64: 8, 320, 512>}, {pipeline_mode = #tpu.pipeline_mode<synchronous>, transform_indices = @transform_23, window_bounds = array<i64: 8, 512>}, {pipeline_mode = #tpu.pipeline_mode<synchronous>, transform_indices = @transform_24, window_bounds = array<i64: 8, 512>}, {pipeline_mode = #tpu.pipeline_mode<synchronous>, transform_indices = @transform_25, window_bounds = array<i64: 8, 512>}, {pipeline_mode = #tpu.pipeline_mode<synchronous>, transform_indices = @transform_26, window_bounds = array<i64: 8, 512, 256>}, {pipeline_mode = #tpu.pipeline_mode<synchronous>, transform_indices = @transform_27, window_bounds = array<i64: 8, 256>}, {pipeline_mode = #tpu.pipeline_mode<synchronous>, transform_indices = @transform_28, window_bounds = array<i64: 8, 256, 320>}, {pipeline_mode = #tpu.pipeline_mode<synchronous>, transform_indices = @transform_29, window_bounds = array<i64: 8, 320>}, {transform_indices = @transform_30, window_bounds = array<i64: 256, 256>}, {pipeline_mode = #tpu.pipeline_mode<synchronous>, transform_indices = @transform_31, window_bounds = array<i64: 1, 1>}]} {
    %eq3A = arith.constant 0 : i32
    %eq3A_0 = arith.cmpi eq, %arg0, %eq3A : i32
    %convert_element_type3A = arith.extui %eq3A_0 : i1 to i32
    %cond3A = arith.constant 0 : i32
    %cond3A_1 = arith.cmpi ne, %convert_element_type3A, %cond3A : i32
    scf.if %cond3A_1 {
      %broadcast_in_dim3A_1172 = arith.constant 0.000000e+00 : f32
      %broadcast_in_dim3A_1173 = vector.broadcast %broadcast_in_dim3A_1172 : f32 to vector<1x128xf32>
      %swap3A_1174 = arith.constant 0 : index
      %swap3A_1175 = arith.constant 0 : index
      %swap3A_1176 = vector.load %arg33[%swap3A_1174, %swap3A_1175] : memref<1x128xf32, #tpu.memory_space<vmem>>, vector<1x128xf32>
      tpu.vector_store %arg33[%swap3A_1174, %swap3A_1175], %broadcast_in_dim3A_1173 {strides = array<i32>} : memref<1x128xf32, #tpu.memory_space<vmem>>, vector<1x128xf32>,
    } else {
    }
    %get3A = arith.constant 0 : index
    %get3A_2 = arith.constant 0 : index
    %get3A_3 = vector.load %arg1[%get3A, %get3A_2] : memref<256x256xf32, #tpu.memory_space<vmem>>, vector<256x256xf32>
    %get3A_4 = arith.constant 0 : index
    %get3A_5 = arith.constant 0 : index
    %get3A_6 = vector.load %arg2[%get3A_4, %get3A_5] : memref<8x32xf32, #tpu.memory_space<vmem>>, vector<8x32xf32>
    %get3A_7 = arith.constant 0 : index
    %get3A_8 = arith.constant 0 : index
    %get3A_9 = vector.load %arg3[%get3A_7, %get3A_8] : memref<8x32xf32, #tpu.memory_space<vmem>>, vector<8x32xf32>
    %get3A_10 = arith.constant 0 : index
    %get3A_11 = arith.constant 0 : index
    %get3A_12 = vector.load %arg4[%get3A_10, %get3A_11] : memref<8x32xf32, #tpu.memory_space<vmem>>, vector<8x32xf32>
    %broadcast_in_dim3A = vector.shape_cast %get3A_6 : vector<8x32xf32> to vector<8x32x1xf32>
    %broadcast_in_dim3A_13 = vector.shape_cast %get3A_6 : vector<8x32xf32> to vector<8x1x32xf32>
    %sub3A = vector.broadcast %broadcast_in_dim3A : vector<8x32x1xf32> to vector<8x32x32xf32>
    %sub3A_14 = vector.broadcast %broadcast_in_dim3A_13 : vector<8x1x32xf32> to vector<8x32x32xf32>
    %sub3A_15 = arith.subf %sub3A, %sub3A_14 : vector<8x32x32xf32>
    %broadcast_in_dim3A_16 = vector.shape_cast %get3A_9 : vector<8x32xf32> to vector<8x32x1xf32>
    %broadcast_in_dim3A_17 = vector.shape_cast %get3A_9 : vector<8x32xf32> to vector<8x1x32xf32>
    %sub3A_18 = vector.broadcast %broadcast_in_dim3A_16 : vector<8x32x1xf32> to vector<8x32x32xf32>
    %sub3A_19 = vector.broadcast %broadcast_in_dim3A_17 : vector<8x1x32xf32> to vector<8x32x32xf32>
    %sub3A_20 = arith.subf %sub3A_18, %sub3A_19 : vector<8x32x32xf32>
    %broadcast_in_dim3A_21 = vector.shape_cast %get3A_12 : vector<8x32xf32> to vector<8x32x1xf32>
    %broadcast_in_dim3A_22 = vector.shape_cast %get3A_12 : vector<8x32xf32> to vector<8x1x32xf32>
    %sub3A_23 = vector.broadcast %broadcast_in_dim3A_21 : vector<8x32x1xf32> to vector<8x32x32xf32>
    %sub3A_24 = vector.broadcast %broadcast_in_dim3A_22 : vector<8x1x32xf32> to vector<8x32x32xf32>
    %sub3A_25 = arith.subf %sub3A_23, %sub3A_24 : vector<8x32x32xf32>
    %mul3A = arith.mulf %sub3A_15, %sub3A_15 : vector<8x32x32xf32>
    %mul3A_26 = arith.mulf %sub3A_20, %sub3A_20 : vector<8x32x32xf32>
    %add3A = arith.addf %mul3A, %mul3A_26 : vector<8x32x32xf32>
    %mul3A_27 = arith.mulf %sub3A_25, %sub3A_25 : vector<8x32x32xf32>
    %add3A_28 = arith.addf %add3A, %mul3A_27 : vector<8x32x32xf32>
    %add3A_29 = arith.constant 9.99999996E-13 : f32
    %add3A_30 = vector.broadcast %add3A_29 : f32 to vector<8x32x32xf32>
    %add3A_31 = arith.addf %add3A_28, %add3A_30 : vector<8x32x32xf32>
    %sqrt3A = math.sqrt %add3A_31 : vector<8x32x32xf32>
    %broadcast_in_dim3A_32 = vector.shape_cast %sqrt3A : vector<8x32x32xf32> to vector<8x32x32x1xf32>
    %get3A_33 = arith.constant 0 : index
    %get3A_34 = arith.constant 0 : index
    %get3A_35 = vector.load %arg5[%get3A_33, %get3A_34] : memref<1x64xf32, #tpu.memory_space<vmem>>, vector<1x64xf32>
    %get3A_36 = arith.constant 0 : index
    %get3A_37 = arith.constant 0 : index
    %get3A_38 = vector.load %arg6[%get3A_36, %get3A_37] : memref<1x64xf32, #tpu.memory_space<vmem>>, vector<1x64xf32>
    %reduce_sum3A = arith.constant dense<0.000000e+00> : vector<1xf32>
    %reduce_sum3A_39 = vector.multi_reduction <add>, %get3A_35, %reduce_sum3A [1] : vector<1x64xf32> to vector<1xf32>
    %broadcast_in_dim3A_40 = vector.shape_cast %reduce_sum3A_39 : vector<1xf32> to vector<1x1xf32>
    %div3A = arith.constant 6.400000e+01 : f32
    %div3A_41 = vector.broadcast %div3A : f32 to vector<1x1xf32>
    %div3A_42 = arith.divf %broadcast_in_dim3A_40, %div3A_41 : vector<1x1xf32>
    %reduce_sum3A_43 = arith.constant dense<0.000000e+00> : vector<1xf32>
    %reduce_sum3A_44 = vector.multi_reduction <add>, %get3A_38, %reduce_sum3A_43 [1] : vector<1x64xf32> to vector<1xf32>
    %broadcast_in_dim3A_45 = vector.shape_cast %reduce_sum3A_44 : vector<1xf32> to vector<1x1xf32>
    %div3A_46 = arith.constant 6.400000e+01 : f32
    %div3A_47 = vector.broadcast %div3A_46 : f32 to vector<1x1xf32>
    %div3A_48 = arith.divf %broadcast_in_dim3A_45, %div3A_47 : vector<1x1xf32>
    %sub3A_49 = vector.broadcast %div3A_42 : vector<1x1xf32> to vector<1x64xf32>
    %sub3A_50 = arith.subf %get3A_35, %sub3A_49 : vector<1x64xf32>
    %sub3A_51 = vector.broadcast %div3A_48 : vector<1x1xf32> to vector<1x64xf32>
    %sub3A_52 = arith.subf %get3A_38, %sub3A_51 : vector<1x64xf32>
    %mul3A_53 = arith.mulf %sub3A_50, %sub3A_50 : vector<1x64xf32>
    %reduce_sum3A_54 = arith.constant dense<0.000000e+00> : vector<1xf32>
    %reduce_sum3A_55 = vector.multi_reduction <add>, %mul3A_53, %reduce_sum3A_54 [1] : vector<1x64xf32> to vector<1xf32>
    %broadcast_in_dim3A_56 = vector.shape_cast %reduce_sum3A_55 : vector<1xf32> to vector<1x1xf32>
    %div3A_57 = arith.constant 6.400000e+01 : f32
    %div3A_58 = vector.broadcast %div3A_57 : f32 to vector<1x1xf32>
    %div3A_59 = arith.divf %broadcast_in_dim3A_56, %div3A_58 : vector<1x1xf32>
    %mul3A_60 = arith.mulf %sub3A_50, %sub3A_52 : vector<1x64xf32>
    %reduce_sum3A_61 = arith.constant dense<0.000000e+00> : vector<1xf32>
    %reduce_sum3A_62 = vector.multi_reduction <add>, %mul3A_60, %reduce_sum3A_61 [1] : vector<1x64xf32> to vector<1xf32>
    %broadcast_in_dim3A_63 = vector.shape_cast %reduce_sum3A_62 : vector<1xf32> to vector<1x1xf32>
    %div3A_64 = arith.constant 6.400000e+01 : f32
    %div3A_65 = vector.broadcast %div3A_64 : f32 to vector<1x1xf32>
    %div3A_66 = arith.divf %broadcast_in_dim3A_63, %div3A_65 : vector<1x1xf32>
    %mul3A_67 = arith.mulf %sub3A_52, %sub3A_52 : vector<1x64xf32>
    %reduce_sum3A_68 = arith.constant dense<0.000000e+00> : vector<1xf32>
    %reduce_sum3A_69 = vector.multi_reduction <add>, %mul3A_67, %reduce_sum3A_68 [1] : vector<1x64xf32> to vector<1xf32>
    %broadcast_in_dim3A_70 = vector.shape_cast %reduce_sum3A_69 : vector<1xf32> to vector<1x1xf32>
    %div3A_71 = arith.constant 6.400000e+01 : f32
    %div3A_72 = vector.broadcast %div3A_71 : f32 to vector<1x1xf32>
    %div3A_73 = arith.divf %broadcast_in_dim3A_70, %div3A_72 : vector<1x1xf32>
    %get3A_74 = arith.constant 0 : index
    %get3A_75 = arith.constant 0 : index
    %get3A_76 = vector.load %arg7[%get3A_74, %get3A_75] : memref<1x64xf32, #tpu.memory_space<vmem>>, vector<1x64xf32>
    %mul3A_77 = arith.mulf %sub3A_50, %get3A_76 : vector<1x64xf32>
    %get3A_78 = arith.constant 0 : index
    %get3A_79 = arith.constant 0 : index
    %get3A_80 = vector.load %arg7[%get3A_78, %get3A_79] : memref<1x64xf32, #tpu.memory_space<vmem>>, vector<1x64xf32>
    %mul3A_81 = arith.mulf %sub3A_52, %get3A_80 : vector<1x64xf32>
    %mul3A_82 = arith.mulf %broadcast_in_dim3A_32, %broadcast_in_dim3A_32 : vector<8x32x32x1xf32>
    %broadcast_in_dim3A_83 = vector.shape_cast %div3A_59 : vector<1x1xf32> to vector<1x1x1x1xf32>
    %mul3A_84 = vector.broadcast %broadcast_in_dim3A_83 : vector<1x1x1x1xf32> to vector<8x32x32x1xf32>
    %mul3A_85 = arith.mulf %mul3A_82, %mul3A_84 : vector<8x32x32x1xf32>
    %mul3A_86 = arith.constant 2.000000e+00 : f32
    %mul3A_87 = vector.broadcast %mul3A_86 : f32 to vector<8x32x32x1xf32>
    %mul3A_88 = arith.mulf %mul3A_87, %broadcast_in_dim3A_32 : vector<8x32x32x1xf32>
    %broadcast_in_dim3A_89 = vector.shape_cast %div3A_66 : vector<1x1xf32> to vector<1x1x1x1xf32>
    %mul3A_90 = vector.broadcast %broadcast_in_dim3A_89 : vector<1x1x1x1xf32> to vector<8x32x32x1xf32>
    %mul3A_91 = arith.mulf %mul3A_88, %mul3A_90 : vector<8x32x32x1xf32>
    %add3A_92 = arith.addf %mul3A_85, %mul3A_91 : vector<8x32x32x1xf32>
    %broadcast_in_dim3A_93 = vector.shape_cast %div3A_73 : vector<1x1xf32> to vector<1x1x1x1xf32>
    %add3A_94 = vector.broadcast %broadcast_in_dim3A_93 : vector<1x1x1x1xf32> to vector<8x32x32x1xf32>
    %add3A_95 = arith.addf %add3A_92, %add3A_94 : vector<8x32x32x1xf32>
    %add3A_96 = arith.constant 9.99999974E-6 : f32
    %add3A_97 = vector.broadcast %add3A_96 : f32 to vector<8x32x32x1xf32>
    %add3A_98 = arith.addf %add3A_95, %add3A_97 : vector<8x32x32x1xf32>
    %rsqrt3A = math.rsqrt %add3A_98 : vector<8x32x32x1xf32>
    %mul3A_99 = arith.mulf %broadcast_in_dim3A_32, %rsqrt3A : vector<8x32x32x1xf32>
    %broadcast_in_dim3A_100 = vector.shape_cast %mul3A_77 : vector<1x64xf32> to vector<1x1x1x64xf32>
    %mul3A_101 = vector.broadcast %mul3A_99 : vector<8x32x32x1xf32> to vector<8x32x32x64xf32>
    %mul3A_102 = vector.broadcast %broadcast_in_dim3A_100 : vector<1x1x1x64xf32> to vector<8x32x32x64xf32>
    %mul3A_103 = arith.mulf %mul3A_101, %mul3A_102 : vector<8x32x32x64xf32>
    %broadcast_in_dim3A_104 = vector.shape_cast %mul3A_81 : vector<1x64xf32> to vector<1x1x1x64xf32>
    %mul3A_105 = vector.broadcast %rsqrt3A : vector<8x32x32x1xf32> to vector<8x32x32x64xf32>
    %mul3A_106 = vector.broadcast %broadcast_in_dim3A_104 : vector<1x1x1x64xf32> to vector<8x32x32x64xf32>
    %mul3A_107 = arith.mulf %mul3A_105, %mul3A_106 : vector<8x32x32x64xf32>
    %add3A_108 = arith.addf %mul3A_103, %mul3A_107 : vector<8x32x32x64xf32>
    %get3A_109 = arith.constant 0 : index
    %get3A_110 = arith.constant 0 : index
    %get3A_111 = vector.load %arg8[%get3A_109, %get3A_110] : memref<1x64xf32, #tpu.memory_space<vmem>>, vector<1x64xf32>
    %broadcast_in_dim3A_112 = vector.shape_cast %get3A_111 : vector<1x64xf32> to vector<1x1x1x64xf32>
    %add3A_113 = vector.broadcast %broadcast_in_dim3A_112 : vector<1x1x1x64xf32> to vector<8x32x32x64xf32>
    %add3A_114 = arith.addf %add3A_108, %add3A_113 : vector<8x32x32x64xf32>
    %logistic3A = arith.negf %add3A_114 : vector<8x32x32x64xf32>
    %logistic3A_115 = math.exp %logistic3A : vector<8x32x32x64xf32>
    %logistic3A_116 = arith.constant 1.000000e+00 : f32
    %logistic3A_117 = vector.broadcast %logistic3A_116 : f32 to vector<8x32x32x64xf32>
    %logistic3A_118 = arith.addf %logistic3A_117, %logistic3A_115 : vector<8x32x32x64xf32>
    %logistic3A_119 = arith.divf %logistic3A_117, %logistic3A_118 : vector<8x32x32x64xf32>
    %mul3A_120 = arith.mulf %add3A_114, %logistic3A_119 : vector<8x32x32x64xf32>
    %reshape3A = vector.shape_cast %mul3A_120 : vector<8x32x32x64xf32> to vector<8192x64xf32>
    %get3A_121 = arith.constant 0 : index
    %get3A_122 = arith.constant 0 : index
    %get3A_123 = vector.load %arg9[%get3A_121, %get3A_122] : memref<64x8xf32, #tpu.memory_space<vmem>>, vector<64x8xf32>
    %dot_general3A = arith.constant dense<0.000000e+00> : vector<8192x8xf32>
    %dot_general3A_124 = tpu.matmul %reshape3A, %get3A_123, %dot_general3A {dimension_numbers = #tpu.dot_dimension_numbers<[1], [0], [0], [1], [0, 0, 1, 1], [], []>, transpose_lhs_hint = false} : vector<8192x64xf32>, vector<64x8xf32>, vector<8192x8xf32> -> vector<8192x8xf32>
    %get3A_125 = arith.constant 0 : index
    %get3A_126 = arith.constant 0 : index
    %get3A_127 = vector.load %arg10[%get3A_125, %get3A_126] : memref<1x8xf32, #tpu.memory_space<vmem>>, vector<1x8xf32>
    %add3A_128 = vector.broadcast %get3A_127 : vector<1x8xf32> to vector<8192x8xf32>
    %add3A_129 = arith.addf %dot_general3A_124, %add3A_128 : vector<8192x8xf32>
    %reduce_max3A = arith.constant dense<0xFF800000> : vector<8192xf32>
    %reduce_max3A_130 = vector.multi_reduction <maximumf>, %add3A_129, %reduce_max3A [1] : vector<8192x8xf32> to vector<8192xf32>
    %max3A = arith.constant 0xFF800000 : f32
    %max3A_131 = vector.broadcast %max3A : f32 to vector<8192xf32>
    %max3A_132 = arith.maximumf %max3A_131, %reduce_max3A_130 : vector<8192xf32>
    %broadcast_in_dim3A_133 = vector.shape_cast %max3A_132 : vector<8192xf32> to vector<8192x1xf32>
    %sub3A_134 = vector.broadcast %broadcast_in_dim3A_133 : vector<8192x1xf32> to vector<8192x8xf32>
    %sub3A_135 = arith.subf %add3A_129, %sub3A_134 : vector<8192x8xf32>
    %exp3A = math.exp %sub3A_135 : vector<8192x8xf32>
    %reduce_sum3A_136 = arith.constant dense<0.000000e+00> : vector<8192xf32>
    %reduce_sum3A_137 = vector.multi_reduction <add>, %exp3A, %reduce_sum3A_136 [1] : vector<8192x8xf32> to vector<8192xf32>
    %broadcast_in_dim3A_138 = vector.shape_cast %reduce_sum3A_137 : vector<8192xf32> to vector<8192x1xf32>
    %div3A_139 = vector.broadcast %broadcast_in_dim3A_138 : vector<8192x1xf32> to vector<8192x8xf32>
    %div3A_140 = arith.divf %exp3A, %div3A_139 : vector<8192x8xf32>
    %reduce_sum3A_141 = arith.constant dense<0.000000e+00> : vector<8xf32>
    %reduce_sum3A_142 = vector.multi_reduction <add>, %div3A_140, %reduce_sum3A_141 [0] : vector<8192x8xf32> to vector<8xf32>
    %reshape3A_143 = vector.shape_cast %reduce_sum3A_142 : vector<8xf32> to vector<1x8xf32>
    %mul3A_144 = arith.mulf %div3A_140, %div3A_140 : vector<8192x8xf32>
    %reduce_sum3A_145 = vector.shape_cast %mul3A_144 : vector<8192x8xf32> to vector<1x8192x8xf32>
    %reduce_sum3A_146 = arith.constant dense<0.000000e+00> : vector<1xf32>
    %reduce_sum3A_147 = vector.multi_reduction <add>, %reduce_sum3A_145, %reduce_sum3A_146 [1, 2] : vector<1x8192x8xf32> to vector<1xf32>
    %reduce_sum3A_148 = vector.shape_cast %reduce_sum3A_147 : vector<1xf32> to vector<1x1x1xf32>
    %reduce_sum3A_149 = vector.extract %reduce_sum3A_148[0, 0, 0] : f32 from vector<1x1x1xf32>
    %reshape3A_150 = vector.broadcast %reduce_sum3A_149 : f32 to vector<1x1xf32>
    %get3A_151 = arith.constant 0 : index
    %get3A_152 = arith.constant 0 : index
    %get3A_153 = vector.load %arg33[%get3A_151, %get3A_152] : memref<1x128xf32, #tpu.memory_space<vmem>>, vector<1x8xf32>
    %add3A_154 = arith.addf %get3A_153, %reshape3A_143 : vector<1x8xf32>
    %swap3A = arith.constant 0 : index
    %swap3A_155 = arith.constant 0 : index
    %swap3A_156 = vector.load %arg33[%swap3A, %swap3A_155] : memref<1x128xf32, #tpu.memory_space<vmem>>, vector<1x8xf32>
    tpu.vector_store %arg33[%swap3A, %swap3A_155], %add3A_154 {strides = array<i32>} : memref<1x128xf32, #tpu.memory_space<vmem>>, vector<1x8xf32>,
    %get3A_157 = arith.constant 0 : index
    %get3A_158 = arith.constant 8 : index
    %get3A_159 = vector.load %arg33[%get3A_157, %get3A_158] : memref<1x128xf32, #tpu.memory_space<vmem>>, vector<1x1xf32>
    %add3A_160 = arith.addf %get3A_159, %reshape3A_150 : vector<1x1xf32>
    %swap3A_161 = arith.constant 0 : index
    %swap3A_162 = arith.constant 8 : index
    %swap3A_163 = vector.load %arg33[%swap3A_161, %swap3A_162] : memref<1x128xf32, #tpu.memory_space<vmem>>, vector<1x1xf32>
    tpu.vector_store %arg33[%swap3A_161, %swap3A_162], %add3A_160 {strides = array<i32>} : memref<1x128xf32, #tpu.memory_space<vmem>>, vector<1x1xf32>,
    %get3A_164 = arith.constant 0 : index
    %get3A_165 = arith.constant 0 : index
    %get3A_166 = vector.load %arg11[%get3A_164, %get3A_165] : memref<1x128xf32, #tpu.memory_space<vmem>>, vector<1x128xf32>
    %get3A_167 = arith.constant 0 : index
    %get3A_168 = arith.constant 0 : index
    %get3A_169 = vector.load %arg12[%get3A_167, %get3A_168] : memref<1x128xf32, #tpu.memory_space<vmem>>, vector<1x128xf32>
    %reduce_sum3A_170 = arith.constant dense<0.000000e+00> : vector<1xf32>
    %reduce_sum3A_171 = vector.multi_reduction <add>, %get3A_166, %reduce_sum3A_170 [1] : vector<1x128xf32> to vector<1xf32>
    %broadcast_in_dim3A_172 = vector.shape_cast %reduce_sum3A_171 : vector<1xf32> to vector<1x1xf32>
    %div3A_173 = arith.constant 1.280000e+02 : f32
    %div3A_174 = vector.broadcast %div3A_173 : f32 to vector<1x1xf32>
    %div3A_175 = arith.divf %broadcast_in_dim3A_172, %div3A_174 : vector<1x1xf32>
    %reduce_sum3A_176 = arith.constant dense<0.000000e+00> : vector<1xf32>
    %reduce_sum3A_177 = vector.multi_reduction <add>, %get3A_169, %reduce_sum3A_176 [1] : vector<1x128xf32> to vector<1xf32>
    %broadcast_in_dim3A_178 = vector.shape_cast %reduce_sum3A_177 : vector<1xf32> to vector<1x1xf32>
    %div3A_179 = arith.constant 1.280000e+02 : f32
    %div3A_180 = vector.broadcast %div3A_179 : f32 to vector<1x1xf32>
    %div3A_181 = arith.divf %broadcast_in_dim3A_178, %div3A_180 : vector<1x1xf32>
    %sub3A_182 = vector.broadcast %div3A_175 : vector<1x1xf32> to vector<1x128xf32>
    %sub3A_183 = arith.subf %get3A_166, %sub3A_182 : vector<1x128xf32>
    %sub3A_184 = vector.broadcast %div3A_181 : vector<1x1xf32> to vector<1x128xf32>
    %sub3A_185 = arith.subf %get3A_169, %sub3A_184 : vector<1x128xf32>
    %mul3A_186 = arith.mulf %sub3A_183, %sub3A_183 : vector<1x128xf32>
    %reduce_sum3A_187 = arith.constant dense<0.000000e+00> : vector<1xf32>
    %reduce_sum3A_188 = vector.multi_reduction <add>, %mul3A_186, %reduce_sum3A_187 [1] : vector<1x128xf32> to vector<1xf32>
    %broadcast_in_dim3A_189 = vector.shape_cast %reduce_sum3A_188 : vector<1xf32> to vector<1x1xf32>
    %div3A_190 = arith.constant 1.280000e+02 : f32
    %div3A_191 = vector.broadcast %div3A_190 : f32 to vector<1x1xf32>
    %div3A_192 = arith.divf %broadcast_in_dim3A_189, %div3A_191 : vector<1x1xf32>
    %mul3A_193 = arith.mulf %sub3A_183, %sub3A_185 : vector<1x128xf32>
    %reduce_sum3A_194 = arith.constant dense<0.000000e+00> : vector<1xf32>
    %reduce_sum3A_195 = vector.multi_reduction <add>, %mul3A_193, %reduce_sum3A_194 [1] : vector<1x128xf32> to vector<1xf32>
    %broadcast_in_dim3A_196 = vector.shape_cast %reduce_sum3A_195 : vector<1xf32> to vector<1x1xf32>
    %div3A_197 = arith.constant 1.280000e+02 : f32
    %div3A_198 = vector.broadcast %div3A_197 : f32 to vector<1x1xf32>
    %div3A_199 = arith.divf %broadcast_in_dim3A_196, %div3A_198 : vector<1x1xf32>
    %mul3A_200 = arith.mulf %sub3A_185, %sub3A_185 : vector<1x128xf32>
    %reduce_sum3A_201 = arith.constant dense<0.000000e+00> : vector<1xf32>
    %reduce_sum3A_202 = vector.multi_reduction <add>, %mul3A_200, %reduce_sum3A_201 [1] : vector<1x128xf32> to vector<1xf32>
    %broadcast_in_dim3A_203 = vector.shape_cast %reduce_sum3A_202 : vector<1xf32> to vector<1x1xf32>
    %div3A_204 = arith.constant 1.280000e+02 : f32
    %div3A_205 = vector.broadcast %div3A_204 : f32 to vector<1x1xf32>
    %div3A_206 = arith.divf %broadcast_in_dim3A_203, %div3A_205 : vector<1x1xf32>
    %get3A_207 = arith.constant 0 : index
    %get3A_208 = arith.constant 0 : index
    %get3A_209 = vector.load %arg13[%get3A_207, %get3A_208] : memref<1x128xf32, #tpu.memory_space<vmem>>, vector<1x128xf32>
    %mul3A_210 = arith.mulf %sub3A_183, %get3A_209 : vector<1x128xf32>
    %get3A_211 = arith.constant 0 : index
    %get3A_212 = arith.constant 0 : index
    %get3A_213 = vector.load %arg13[%get3A_211, %get3A_212] : memref<1x128xf32, #tpu.memory_space<vmem>>, vector<1x128xf32>
    %mul3A_214 = arith.mulf %sub3A_185, %get3A_213 : vector<1x128xf32>
    %mul3A_215 = arith.mulf %broadcast_in_dim3A_32, %broadcast_in_dim3A_32 : vector<8x32x32x1xf32>
    %broadcast_in_dim3A_216 = vector.shape_cast %div3A_192 : vector<1x1xf32> to vector<1x1x1x1xf32>
    %mul3A_217 = vector.broadcast %broadcast_in_dim3A_216 : vector<1x1x1x1xf32> to vector<8x32x32x1xf32>
    %mul3A_218 = arith.mulf %mul3A_215, %mul3A_217 : vector<8x32x32x1xf32>
    %mul3A_219 = arith.constant 2.000000e+00 : f32
    %mul3A_220 = vector.broadcast %mul3A_219 : f32 to vector<8x32x32x1xf32>
    %mul3A_221 = arith.mulf %mul3A_220, %broadcast_in_dim3A_32 : vector<8x32x32x1xf32>
    %broadcast_in_dim3A_222 = vector.shape_cast %div3A_199 : vector<1x1xf32> to vector<1x1x1x1xf32>
    %mul3A_223 = vector.broadcast %broadcast_in_dim3A_222 : vector<1x1x1x1xf32> to vector<8x32x32x1xf32>
    %mul3A_224 = arith.mulf %mul3A_221, %mul3A_223 : vector<8x32x32x1xf32>
    %add3A_225 = arith.addf %mul3A_218, %mul3A_224 : vector<8x32x32x1xf32>
    %broadcast_in_dim3A_226 = vector.shape_cast %div3A_206 : vector<1x1xf32> to vector<1x1x1x1xf32>
    %add3A_227 = vector.broadcast %broadcast_in_dim3A_226 : vector<1x1x1x1xf32> to vector<8x32x32x1xf32>
    %add3A_228 = arith.addf %add3A_225, %add3A_227 : vector<8x32x32x1xf32>
    %add3A_229 = arith.constant 9.99999974E-6 : f32
    %add3A_230 = vector.broadcast %add3A_229 : f32 to vector<8x32x32x1xf32>
    %add3A_231 = arith.addf %add3A_228, %add3A_230 : vector<8x32x32x1xf32>
    %rsqrt3A_232 = math.rsqrt %add3A_231 : vector<8x32x32x1xf32>
    %mul3A_233 = arith.mulf %broadcast_in_dim3A_32, %rsqrt3A_232 : vector<8x32x32x1xf32>
    %broadcast_in_dim3A_234 = vector.shape_cast %mul3A_210 : vector<1x128xf32> to vector<1x1x1x128xf32>
    %mul3A_235 = vector.broadcast %mul3A_233 : vector<8x32x32x1xf32> to vector<8x32x32x128xf32>
    %mul3A_236 = vector.broadcast %broadcast_in_dim3A_234 : vector<1x1x1x128xf32> to vector<8x32x32x128xf32>
    %mul3A_237 = arith.mulf %mul3A_235, %mul3A_236 : vector<8x32x32x128xf32>
    %broadcast_in_dim3A_238 = vector.shape_cast %mul3A_214 : vector<1x128xf32> to vector<1x1x1x128xf32>
    %mul3A_239 = vector.broadcast %rsqrt3A_232 : vector<8x32x32x1xf32> to vector<8x32x32x128xf32>
    %mul3A_240 = vector.broadcast %broadcast_in_dim3A_238 : vector<1x1x1x128xf32> to vector<8x32x32x128xf32>
    %mul3A_241 = arith.mulf %mul3A_239, %mul3A_240 : vector<8x32x32x128xf32>
    %add3A_242 = arith.addf %mul3A_237, %mul3A_241 : vector<8x32x32x128xf32>
    %get3A_243 = arith.constant 0 : index
    %get3A_244 = arith.constant 0 : index
    %get3A_245 = vector.load %arg14[%get3A_243, %get3A_244] : memref<1x128xf32, #tpu.memory_space<vmem>>, vector<1x128xf32>
    %broadcast_in_dim3A_246 = vector.shape_cast %get3A_245 : vector<1x128xf32> to vector<1x1x1x128xf32>
    %add3A_247 = vector.broadcast %broadcast_in_dim3A_246 : vector<1x1x1x128xf32> to vector<8x32x32x128xf32>
    %add3A_248 = arith.addf %add3A_242, %add3A_247 : vector<8x32x32x128xf32>
    %logistic3A_249 = arith.negf %add3A_248 : vector<8x32x32x128xf32>
    %logistic3A_250 = math.exp %logistic3A_249 : vector<8x32x32x128xf32>
    %logistic3A_251 = arith.constant 1.000000e+00 : f32
    %logistic3A_252 = vector.broadcast %logistic3A_251 : f32 to vector<8x32x32x128xf32>
    %logistic3A_253 = arith.addf %logistic3A_252, %logistic3A_250 : vector<8x32x32x128xf32>
    %logistic3A_254 = arith.divf %logistic3A_252, %logistic3A_253 : vector<8x32x32x128xf32>
    %mul3A_255 = arith.mulf %add3A_248, %logistic3A_254 : vector<8x32x32x128xf32>
    %reshape3A_256 = vector.shape_cast %mul3A_255 : vector<8x32x32x128xf32> to vector<8192x128xf32>
    %get3A_257 = arith.constant 0 : index
    %get3A_258 = arith.constant 0 : index
    %get3A_259 = vector.load %arg15[%get3A_257, %get3A_258] : memref<128x64xf32, #tpu.memory_space<vmem>>, vector<128x64xf32>
    %dot_general3A_260 = arith.constant dense<0.000000e+00> : vector<8192x64xf32>
    %dot_general3A_261 = tpu.matmul %reshape3A_256, %get3A_259, %dot_general3A_260 {dimension_numbers = #tpu.dot_dimension_numbers<[1], [0], [0], [1], [0, 0, 1, 1], [], []>, transpose_lhs_hint = false} : vector<8192x128xf32>, vector<128x64xf32>, vector<8192x64xf32> -> vector<8192x64xf32>
    %get3A_262 = arith.constant 0 : index
    %get3A_263 = arith.constant 0 : index
    %get3A_264 = vector.load %arg16[%get3A_262, %get3A_263] : memref<1x64xf32, #tpu.memory_space<vmem>>, vector<1x64xf32>
    %add3A_265 = vector.broadcast %get3A_264 : vector<1x64xf32> to vector<8192x64xf32>
    %add3A_266 = arith.addf %dot_general3A_261, %add3A_265 : vector<8192x64xf32>
    %reshape3A_267 = vector.shape_cast %add3A_266 : vector<8192x64xf32> to vector<8x32x32x64xf32>
    %gt3A = arith.constant 5.000000e-02 : f32
    %gt3A_268 = vector.broadcast %gt3A : f32 to vector<8192x8xf32>
    %gt3A_269 = arith.cmpf ogt, %div3A_140, %gt3A_268 : vector<8192x8xf32>
    %jit3A = arith.constant 0.000000e+00 : f32
    %broadcast_in_dim3A_270 = vector.broadcast %jit3A : f32 to vector<8192x8xf32>
    %select_n3A = arith.select %gt3A_269, %div3A_140, %broadcast_in_dim3A_270 : vector<8192x8xi1>, vector<8192x8xf32>
    %reshape3A_271 = vector.shape_cast %select_n3A : vector<8192x8xf32> to vector<8x32x32x8xf32>
    %reshape3A_272 = vector.shape_cast %get3A_3 : vector<256x256xf32> to vector<8x32x256xf32>
    %reduce_sum3A_273 = arith.constant dense<0.000000e+00> : vector<8x256xf32>
    %reduce_sum3A_274 = vector.multi_reduction <add>, %reshape3A_272, %reduce_sum3A_273 [1] : vector<8x32x256xf32> to vector<8x256xf32>
    %broadcast_in_dim3A_275 = vector.shape_cast %reduce_sum3A_274 : vector<8x256xf32> to vector<8x1x256xf32>
    %broadcast_in_dim3A_276 = vector.shape_cast %broadcast_in_dim3A_275 : vector<8x1x256xf32> to vector<8x1x256xf32>
    %broadcast_in_dim3A_277 = vector.broadcast %broadcast_in_dim3A_276 : vector<8x1x256xf32> to vector<8x32x256xf32>
    %reduce_sum3A_278 = arith.constant dense<0.000000e+00> : vector<8x32x64xf32>
    %reduce_sum3A_279 = vector.multi_reduction <add>, %reshape3A_267, %reduce_sum3A_278 [2] : vector<8x32x32x64xf32> to vector<8x32x64xf32>
    %concatenate3A = tpu.concatenate %broadcast_in_dim3A_277, %reduce_sum3A_279 in 2 : vector<8x32x256xf32>, vector<8x32x64xf32> -> vector<8x32x320xf32>
    %reshape3A_280 = vector.shape_cast %concatenate3A : vector<8x32x320xf32> to vector<256x320xf32>
    %get3A_281 = arith.constant 0 : index
    %get3A_282 = arith.constant 0 : index
    %get3A_283 = vector.load %arg17[%get3A_281, %get3A_282] : memref<320x512xf32, #tpu.memory_space<vmem>>, vector<320x512xf32>
    %dot_general3A_284 = arith.constant dense<0.000000e+00> : vector<256x512xf32>
    %dot_general3A_285 = tpu.matmul %reshape3A_280, %get3A_283, %dot_general3A_284 {dimension_numbers = #tpu.dot_dimension_numbers<[1], [0], [0], [1], [0, 0, 1, 1], [], []>, transpose_lhs_hint = false} : vector<256x320xf32>, vector<320x512xf32>, vector<256x512xf32> -> vector<256x512xf32>
    %get3A_286 = arith.constant 0 : index
    %get3A_287 = arith.constant 0 : index
    %get3A_288 = vector.load %arg18[%get3A_286, %get3A_287] : memref<1x512xf32, #tpu.memory_space<vmem>>, vector<1x512xf32>
    %add3A_289 = vector.broadcast %get3A_288 : vector<1x512xf32> to vector<256x512xf32>
    %add3A_290 = arith.addf %dot_general3A_285, %add3A_289 : vector<256x512xf32>
    %get3A_291 = arith.constant 0 : index
    %get3A_292 = arith.constant 0 : index
    %get3A_293 = vector.load %arg19[%get3A_291, %get3A_292] : memref<1x512xf32, #tpu.memory_space<vmem>>, vector<1x512xf32>
    %get3A_294 = arith.constant 0 : index
    %get3A_295 = arith.constant 0 : index
    %get3A_296 = vector.load %arg20[%get3A_294, %get3A_295] : memref<1x512xf32, #tpu.memory_space<vmem>>, vector<1x512xf32>
    %reduce_sum3A_297 = arith.constant dense<0.000000e+00> : vector<256xf32>
    %reduce_sum3A_298 = vector.multi_reduction <add>, %add3A_290, %reduce_sum3A_297 [1] : vector<256x512xf32> to vector<256xf32>
    %broadcast_in_dim3A_299 = vector.shape_cast %reduce_sum3A_298 : vector<256xf32> to vector<256x1xf32>
    %div3A_300 = arith.constant 5.120000e+02 : f32
    %div3A_301 = vector.broadcast %div3A_300 : f32 to vector<256x1xf32>
    %div3A_302 = arith.divf %broadcast_in_dim3A_299, %div3A_301 : vector<256x1xf32>
    %jit3A_303 = arith.constant 0 : i32
    %reduce_sum3A_304 = arith.constant dense<0.000000e+00> : vector<256xf32>
    %reduce_sum3A_305 = vector.multi_reduction <add>, %add3A_290, %reduce_sum3A_304 [1] : vector<256x512xf32> to vector<256xf32>
    %broadcast_in_dim3A_306 = vector.shape_cast %reduce_sum3A_305 : vector<256xf32> to vector<256x1xf32>
    %div3A_307 = arith.constant 5.120000e+02 : f32
    %div3A_308 = vector.broadcast %div3A_307 : f32 to vector<256x1xf32>
    %div3A_309 = arith.divf %broadcast_in_dim3A_306, %div3A_308 : vector<256x1xf32>
    %sub3A_310 = vector.broadcast %div3A_309 : vector<256x1xf32> to vector<256x512xf32>
    %sub3A_311 = arith.subf %add3A_290, %sub3A_310 : vector<256x512xf32>
    %square3A = arith.mulf %sub3A_311, %sub3A_311 : vector<256x512xf32>
    %convert_element_type3A_312 = arith.sitofp %jit3A_303 : i32 to f32
    %sub3A_313 = arith.constant 5.120000e+02 : f32
    %sub3A_314 = arith.subf %sub3A_313, %convert_element_type3A_312 : f32
    %reduce_sum3A_315 = arith.constant dense<0.000000e+00> : vector<256xf32>
    %reduce_sum3A_316 = vector.multi_reduction <add>, %square3A, %reduce_sum3A_315 [1] : vector<256x512xf32> to vector<256xf32>
    %broadcast_in_dim3A_317 = vector.shape_cast %reduce_sum3A_316 : vector<256xf32> to vector<256x1xf32>
    %div3A_318 = vector.broadcast %sub3A_314 : f32 to vector<256x1xf32>
    %div3A_319 = arith.divf %broadcast_in_dim3A_317, %div3A_318 : vector<256x1xf32>
    %gt3A_320 = arith.constant 0.000000e+00 : f32
    %gt3A_321 = arith.cmpf ogt, %sub3A_314, %gt3A_320 : f32
    %jit3A_322 = arith.constant 0x7FC00000 : f32
    %broadcast_in_dim3A_323 = vector.broadcast %jit3A_322 : f32 to vector<256x1xf32>
    %select_n3A_324 = arith.select %gt3A_321, %div3A_319, %broadcast_in_dim3A_323 : vector<256x1xf32>
    %sub3A_325 = vector.broadcast %div3A_302 : vector<256x1xf32> to vector<256x512xf32>
    %sub3A_326 = arith.subf %add3A_290, %sub3A_325 : vector<256x512xf32>
    %add3A_327 = arith.constant 9.99999974E-6 : f32
    %add3A_328 = vector.broadcast %add3A_327 : f32 to vector<256x1xf32>
    %add3A_329 = arith.addf %select_n3A_324, %add3A_328 : vector<256x1xf32>
    %sqrt3A_330 = math.sqrt %add3A_329 : vector<256x1xf32>
    %div3A_331 = vector.broadcast %sqrt3A_330 : vector<256x1xf32> to vector<256x512xf32>
    %div3A_332 = arith.divf %sub3A_326, %div3A_331 : vector<256x512xf32>
    %mul3A_333 = vector.broadcast %get3A_293 : vector<1x512xf32> to vector<256x512xf32>
    %mul3A_334 = arith.mulf %div3A_332, %mul3A_333 : vector<256x512xf32>
    %add3A_335 = vector.broadcast %get3A_296 : vector<1x512xf32> to vector<256x512xf32>
    %add3A_336 = arith.addf %mul3A_334, %add3A_335 : vector<256x512xf32>
    %logistic3A_337 = arith.negf %add3A_336 : vector<256x512xf32>
    %logistic3A_338 = math.exp %logistic3A_337 : vector<256x512xf32>
    %logistic3A_339 = arith.constant 1.000000e+00 : f32
    %logistic3A_340 = vector.broadcast %logistic3A_339 : f32 to vector<256x512xf32>
    %logistic3A_341 = arith.addf %logistic3A_340, %logistic3A_338 : vector<256x512xf32>
    %logistic3A_342 = arith.divf %logistic3A_340, %logistic3A_341 : vector<256x512xf32>
    %mul3A_343 = arith.mulf %add3A_336, %logistic3A_342 : vector<256x512xf32>
    %get3A_344 = arith.constant 0 : index
    %get3A_345 = arith.constant 0 : index
    %get3A_346 = vector.load %arg21[%get3A_344, %get3A_345] : memref<512x256xf32, #tpu.memory_space<vmem>>, vector<512x256xf32>
    %dot_general3A_347 = arith.constant dense<0.000000e+00> : vector<256x256xf32>
    %dot_general3A_348 = tpu.matmul %mul3A_343, %get3A_346, %dot_general3A_347 {dimension_numbers = #tpu.dot_dimension_numbers<[1], [0], [0], [1], [0, 0, 1, 1], [], []>, transpose_lhs_hint = false} : vector<256x512xf32>, vector<512x256xf32>, vector<256x256xf32> -> vector<256x256xf32>
    %get3A_349 = arith.constant 0 : index
    %get3A_350 = arith.constant 0 : index
    %get3A_351 = vector.load %arg22[%get3A_349, %get3A_350] : memref<1x256xf32, #tpu.memory_space<vmem>>, vector<1x256xf32>
    %add3A_352 = vector.broadcast %get3A_351 : vector<1x256xf32> to vector<256x256xf32>
    %add3A_353 = arith.addf %dot_general3A_348, %add3A_352 : vector<256x256xf32>
    %transpose3A = tpu.transpose %reshape3A_271, [0, 3, 1, 2] : vector<8x32x32x8xf32> -> vector<8x8x32x32xf32>
    %reshape3A_354 = vector.shape_cast %transpose3A : vector<8x8x32x32xf32> to vector<8x256x32xf32>
    "tpu.trace_start"() <{level = 10 : i32, message = "gkm,gmd->gkd"}> : () -> ()
    %dot_general3A_355 = arith.constant dense<0.000000e+00> : vector<8x256x256xf32>
    %dot_general3A_356 = tpu.matmul %reshape3A_354, %reshape3A_272, %dot_general3A_355 {dimension_numbers = #tpu.dot_dimension_numbers<[2], [1], [1], [2], [0, 0, 0, 1, 1, 2], [0], [0]>, transpose_lhs_hint = false} : vector<8x256x32xf32>, vector<8x32x256xf32>, vector<8x256x256xf32> -> vector<8x256x256xf32>
    "tpu.trace_stop"() : () -> ()
    %reshape3A_357 = vector.shape_cast %dot_general3A_356 : vector<8x256x256xf32> to vector<8x8x32x256xf32>
    %slice3A = vector.extract_strided_slice %reshape3A_357 {offsets = [0, 0, 0, 0], sizes = [8, 1, 32, 256], strides = [1, 1, 1, 1]} : vector<8x8x32x256xf32> to vector<8x1x32x256xf32>
    %squeeze3A = vector.shape_cast %slice3A : vector<8x1x32x256xf32> to vector<8x32x256xf32>
    %slice3A_358 = vector.extract_strided_slice %reshape3A_271 {offsets = [0, 0, 0, 0], sizes = [8, 32, 32, 1], strides = [1, 1, 1, 1]} : vector<8x32x32x8xf32> to vector<8x32x32x1xf32>
    %mul3A_359 = vector.broadcast %slice3A_358 : vector<8x32x32x1xf32> to vector<8x32x32x64xf32>
    %mul3A_360 = arith.mulf %mul3A_359, %reshape3A_267 : vector<8x32x32x64xf32>
    %reduce_sum3A_361 = arith.constant dense<0.000000e+00> : vector<8x32x64xf32>
    %reduce_sum3A_362 = vector.multi_reduction <add>, %mul3A_360, %reduce_sum3A_361 [2] : vector<8x32x32x64xf32> to vector<8x32x64xf32>
    %concatenate3A_363 = tpu.concatenate %squeeze3A, %reduce_sum3A_362 in 2 : vector<8x32x256xf32>, vector<8x32x64xf32> -> vector<8x32x320xf32>
    %reshape3A_364 = vector.shape_cast %concatenate3A_363 : vector<8x32x320xf32> to vector<256x320xf32>
    %get3A_365 = arith.constant 0 : index
    %get3A_366 = arith.constant 0 : index
    %get3A_367 = arith.constant 0 : index
    %get3A_368 = vector.load %arg29[%get3A_365, %get3A_366, %get3A_367] : memref<8x256x320xf32, #tpu.memory_space<vmem>>, vector<1x256x320xf32>
    %get3A_369 = vector.shape_cast %get3A_368 : vector<1x256x320xf32> to vector<256x320xf32>
    %dot_general3A_370 = arith.constant dense<0.000000e+00> : vector<256x320xf32>
    %dot_general3A_371 = tpu.matmul %get3A_3, %get3A_369, %dot_general3A_370 {dimension_numbers = #tpu.dot_dimension_numbers<[1], [0], [0], [1], [0, 0, 1, 1], [], []>, transpose_lhs_hint = false} : vector<256x256xf32>, vector<256x320xf32>, vector<256x320xf32> -> vector<256x320xf32>
    %get3A_372 = arith.constant 0 : index
    %get3A_373 = arith.constant 0 : index
    %get3A_374 = vector.load %arg30[%get3A_372, %get3A_373] : memref<8x320xf32, #tpu.memory_space<vmem>>, vector<1x320xf32>
    %add3A_375 = vector.broadcast %get3A_374 : vector<1x320xf32> to vector<256x320xf32>
    %add3A_376 = arith.addf %dot_general3A_371, %add3A_375 : vector<256x320xf32>
    %add3A_377 = arith.addf %reshape3A_364, %add3A_376 : vector<256x320xf32>
    %get3A_378 = arith.constant 0 : index
    %get3A_379 = arith.constant 0 : index
    %get3A_380 = arith.constant 0 : index
    %get3A_381 = vector.load %arg23[%get3A_378, %get3A_379, %get3A_380] : memref<8x320x512xf32, #tpu.memory_space<vmem>>, vector<1x320x512xf32>
    %get3A_382 = vector.shape_cast %get3A_381 : vector<1x320x512xf32> to vector<320x512xf32>
    %dot_general3A_383 = arith.constant dense<0.000000e+00> : vector<256x512xf32>
    %dot_general3A_384 = tpu.matmul %add3A_377, %get3A_382, %dot_general3A_383 {dimension_numbers = #tpu.dot_dimension_numbers<[1], [0], [0], [1], [0, 0, 1, 1], [], []>, transpose_lhs_hint = false} : vector<256x320xf32>, vector<320x512xf32>, vector<256x512xf32> -> vector<256x512xf32>
    %get3A_385 = arith.constant 0 : index
    %get3A_386 = arith.constant 0 : index
    %get3A_387 = vector.load %arg24[%get3A_385, %get3A_386] : memref<8x512xf32, #tpu.memory_space<vmem>>, vector<1x512xf32>
    %add3A_388 = vector.broadcast %get3A_387 : vector<1x512xf32> to vector<256x512xf32>
    %add3A_389 = arith.addf %dot_general3A_384, %add3A_388 : vector<256x512xf32>
    %get3A_390 = arith.constant 0 : index
    %get3A_391 = arith.constant 0 : index
    %get3A_392 = vector.load %arg25[%get3A_390, %get3A_391] : memref<8x512xf32, #tpu.memory_space<vmem>>, vector<1x512xf32>
    %get3A_393 = arith.constant 0 : index
    %get3A_394 = arith.constant 0 : index
    %get3A_395 = vector.load %arg26[%get3A_393, %get3A_394] : memref<8x512xf32, #tpu.memory_space<vmem>>, vector<1x512xf32>
    %reduce_sum3A_396 = arith.constant dense<0.000000e+00> : vector<256xf32>
    %reduce_sum3A_397 = vector.multi_reduction <add>, %add3A_389, %reduce_sum3A_396 [1] : vector<256x512xf32> to vector<256xf32>
    %broadcast_in_dim3A_398 = vector.shape_cast %reduce_sum3A_397 : vector<256xf32> to vector<256x1xf32>
    %div3A_399 = arith.constant 5.120000e+02 : f32
    %div3A_400 = vector.broadcast %div3A_399 : f32 to vector<256x1xf32>
    %div3A_401 = arith.divf %broadcast_in_dim3A_398, %div3A_400 : vector<256x1xf32>
    %jit3A_402 = arith.constant 0 : i32
    %reduce_sum3A_403 = arith.constant dense<0.000000e+00> : vector<256xf32>
    %reduce_sum3A_404 = vector.multi_reduction <add>, %add3A_389, %reduce_sum3A_403 [1] : vector<256x512xf32> to vector<256xf32>
    %broadcast_in_dim3A_405 = vector.shape_cast %reduce_sum3A_404 : vector<256xf32> to vector<256x1xf32>
    %div3A_406 = arith.constant 5.120000e+02 : f32
    %div3A_407 = vector.broadcast %div3A_406 : f32 to vector<256x1xf32>
    %div3A_408 = arith.divf %broadcast_in_dim3A_405, %div3A_407 : vector<256x1xf32>
    %sub3A_409 = vector.broadcast %div3A_408 : vector<256x1xf32> to vector<256x512xf32>
    %sub3A_410 = arith.subf %add3A_389, %sub3A_409 : vector<256x512xf32>
    %square3A_411 = arith.mulf %sub3A_410, %sub3A_410 : vector<256x512xf32>
    %convert_element_type3A_412 = arith.sitofp %jit3A_402 : i32 to f32
    %sub3A_413 = arith.constant 5.120000e+02 : f32
    %sub3A_414 = arith.subf %sub3A_413, %convert_element_type3A_412 : f32
    %reduce_sum3A_415 = arith.constant dense<0.000000e+00> : vector<256xf32>
    %reduce_sum3A_416 = vector.multi_reduction <add>, %square3A_411, %reduce_sum3A_415 [1] : vector<256x512xf32> to vector<256xf32>
    %broadcast_in_dim3A_417 = vector.shape_cast %reduce_sum3A_416 : vector<256xf32> to vector<256x1xf32>
    %div3A_418 = vector.broadcast %sub3A_414 : f32 to vector<256x1xf32>
    %div3A_419 = arith.divf %broadcast_in_dim3A_417, %div3A_418 : vector<256x1xf32>
    %gt3A_420 = arith.constant 0.000000e+00 : f32
    %gt3A_421 = arith.cmpf ogt, %sub3A_414, %gt3A_420 : f32
    %jit3A_422 = arith.constant 0x7FC00000 : f32
    %broadcast_in_dim3A_423 = vector.broadcast %jit3A_422 : f32 to vector<256x1xf32>
    %select_n3A_424 = arith.select %gt3A_421, %div3A_419, %broadcast_in_dim3A_423 : vector<256x1xf32>
    %sub3A_425 = vector.broadcast %div3A_401 : vector<256x1xf32> to vector<256x512xf32>
    %sub3A_426 = arith.subf %add3A_389, %sub3A_425 : vector<256x512xf32>
    %add3A_427 = arith.constant 9.99999974E-6 : f32
    %add3A_428 = vector.broadcast %add3A_427 : f32 to vector<256x1xf32>
    %add3A_429 = arith.addf %select_n3A_424, %add3A_428 : vector<256x1xf32>
    %sqrt3A_430 = math.sqrt %add3A_429 : vector<256x1xf32>
    %div3A_431 = vector.broadcast %sqrt3A_430 : vector<256x1xf32> to vector<256x512xf32>
    %div3A_432 = arith.divf %sub3A_426, %div3A_431 : vector<256x512xf32>
    %mul3A_433 = vector.broadcast %get3A_392 : vector<1x512xf32> to vector<256x512xf32>
    %mul3A_434 = arith.mulf %div3A_432, %mul3A_433 : vector<256x512xf32>
    %add3A_435 = vector.broadcast %get3A_395 : vector<1x512xf32> to vector<256x512xf32>
    %add3A_436 = arith.addf %mul3A_434, %add3A_435 : vector<256x512xf32>
    %logistic3A_437 = arith.negf %add3A_436 : vector<256x512xf32>
    %logistic3A_438 = math.exp %logistic3A_437 : vector<256x512xf32>
    %logistic3A_439 = arith.constant 1.000000e+00 : f32
    %logistic3A_440 = vector.broadcast %logistic3A_439 : f32 to vector<256x512xf32>
    %logistic3A_441 = arith.addf %logistic3A_440, %logistic3A_438 : vector<256x512xf32>
    %logistic3A_442 = arith.divf %logistic3A_440, %logistic3A_441 : vector<256x512xf32>
    %mul3A_443 = arith.mulf %add3A_436, %logistic3A_442 : vector<256x512xf32>
    %get3A_444 = arith.constant 0 : index
    %get3A_445 = arith.constant 0 : index
    %get3A_446 = arith.constant 0 : index
    %get3A_447 = vector.load %arg27[%get3A_444, %get3A_445, %get3A_446] : memref<8x512x256xf32, #tpu.memory_space<vmem>>, vector<1x512x256xf32>
    %get3A_448 = vector.shape_cast %get3A_447 : vector<1x512x256xf32> to vector<512x256xf32>
    %dot_general3A_449 = arith.constant dense<0.000000e+00> : vector<256x256xf32>
    %dot_general3A_450 = tpu.matmul %mul3A_443, %get3A_448, %dot_general3A_449 {dimension_numbers = #tpu.dot_dimension_numbers<[1], [0], [0], [1], [0, 0, 1, 1], [], []>, transpose_lhs_hint = false} : vector<256x512xf32>, vector<512x256xf32>, vector<256x256xf32> -> vector<256x256xf32>
    %add3A_451 = arith.addf %add3A_353, %dot_general3A_450 : vector<256x256xf32>
    %get3A_452 = arith.constant 0 : index
    %get3A_453 = arith.constant 0 : index
    %get3A_454 = vector.load %arg28[%get3A_452, %get3A_453] : memref<8x256xf32, #tpu.memory_space<vmem>>, vector<1x256xf32>
    %add3A_455 = vector.broadcast %get3A_454 : vector<1x256xf32> to vector<256x256xf32>
    %add3A_456 = arith.addf %add3A_451, %add3A_455 : vector<256x256xf32>
    %slice3A_457 = vector.extract_strided_slice %reshape3A_357 {offsets = [0, 1, 0, 0], sizes = [8, 1, 32, 256], strides = [1, 1, 1, 1]} : vector<8x8x32x256xf32> to vector<8x1x32x256xf32>
    %squeeze3A_458 = vector.shape_cast %slice3A_457 : vector<8x1x32x256xf32> to vector<8x32x256xf32>
    %slice3A_459 = vector.extract_strided_slice %reshape3A_271 {offsets = [0, 0, 0, 1], sizes = [8, 32, 32, 1], strides = [1, 1, 1, 1]} : vector<8x32x32x8xf32> to vector<8x32x32x1xf32>
    %mul3A_460 = vector.broadcast %slice3A_459 : vector<8x32x32x1xf32> to vector<8x32x32x64xf32>
    %mul3A_461 = arith.mulf %mul3A_460, %reshape3A_267 : vector<8x32x32x64xf32>
    %reduce_sum3A_462 = arith.constant dense<0.000000e+00> : vector<8x32x64xf32>
    %reduce_sum3A_463 = vector.multi_reduction <add>, %mul3A_461, %reduce_sum3A_462 [2] : vector<8x32x32x64xf32> to vector<8x32x64xf32>
    %concatenate3A_464 = tpu.concatenate %squeeze3A_458, %reduce_sum3A_463 in 2 : vector<8x32x256xf32>, vector<8x32x64xf32> -> vector<8x32x320xf32>
    %reshape3A_465 = vector.shape_cast %concatenate3A_464 : vector<8x32x320xf32> to vector<256x320xf32>
    %get3A_466 = arith.constant 1 : index
    %get3A_467 = arith.constant 0 : index
    %get3A_468 = arith.constant 0 : index
    %get3A_469 = vector.load %arg29[%get3A_466, %get3A_467, %get3A_468] : memref<8x256x320xf32, #tpu.memory_space<vmem>>, vector<1x256x320xf32>
    %get3A_470 = vector.shape_cast %get3A_469 : vector<1x256x320xf32> to vector<256x320xf32>
    %dot_general3A_471 = arith.constant dense<0.000000e+00> : vector<256x320xf32>
    %dot_general3A_472 = tpu.matmul %get3A_3, %get3A_470, %dot_general3A_471 {dimension_numbers = #tpu.dot_dimension_numbers<[1], [0], [0], [1], [0, 0, 1, 1], [], []>, transpose_lhs_hint = false} : vector<256x256xf32>, vector<256x320xf32>, vector<256x320xf32> -> vector<256x320xf32>
    %get3A_473 = arith.constant 1 : index
    %get3A_474 = arith.constant 0 : index
    %get3A_475 = vector.load %arg30[%get3A_473, %get3A_474] : memref<8x320xf32, #tpu.memory_space<vmem>>, vector<1x320xf32>
    %add3A_476 = vector.broadcast %get3A_475 : vector<1x320xf32> to vector<256x320xf32>
    %add3A_477 = arith.addf %dot_general3A_472, %add3A_476 : vector<256x320xf32>
    %add3A_478 = arith.addf %reshape3A_465, %add3A_477 : vector<256x320xf32>
    %get3A_479 = arith.constant 1 : index
    %get3A_480 = arith.constant 0 : index
    %get3A_481 = arith.constant 0 : index
    %get3A_482 = vector.load %arg23[%get3A_479, %get3A_480, %get3A_481] : memref<8x320x512xf32, #tpu.memory_space<vmem>>, vector<1x320x512xf32>
    %get3A_483 = vector.shape_cast %get3A_482 : vector<1x320x512xf32> to vector<320x512xf32>
    %dot_general3A_484 = arith.constant dense<0.000000e+00> : vector<256x512xf32>
    %dot_general3A_485 = tpu.matmul %add3A_478, %get3A_483, %dot_general3A_484 {dimension_numbers = #tpu.dot_dimension_numbers<[1], [0], [0], [1], [0, 0, 1, 1], [], []>, transpose_lhs_hint = false} : vector<256x320xf32>, vector<320x512xf32>, vector<256x512xf32> -> vector<256x512xf32>
    %get3A_486 = arith.constant 1 : index
    %get3A_487 = arith.constant 0 : index
    %get3A_488 = vector.load %arg24[%get3A_486, %get3A_487] : memref<8x512xf32, #tpu.memory_space<vmem>>, vector<1x512xf32>
    %add3A_489 = vector.broadcast %get3A_488 : vector<1x512xf32> to vector<256x512xf32>
    %add3A_490 = arith.addf %dot_general3A_485, %add3A_489 : vector<256x512xf32>
    %get3A_491 = arith.constant 1 : index
    %get3A_492 = arith.constant 0 : index
    %get3A_493 = vector.load %arg25[%get3A_491, %get3A_492] : memref<8x512xf32, #tpu.memory_space<vmem>>, vector<1x512xf32>
    %get3A_494 = arith.constant 1 : index
    %get3A_495 = arith.constant 0 : index
    %get3A_496 = vector.load %arg26[%get3A_494, %get3A_495] : memref<8x512xf32, #tpu.memory_space<vmem>>, vector<1x512xf32>
    %reduce_sum3A_497 = arith.constant dense<0.000000e+00> : vector<256xf32>
    %reduce_sum3A_498 = vector.multi_reduction <add>, %add3A_490, %reduce_sum3A_497 [1] : vector<256x512xf32> to vector<256xf32>
    %broadcast_in_dim3A_499 = vector.shape_cast %reduce_sum3A_498 : vector<256xf32> to vector<256x1xf32>
    %div3A_500 = arith.constant 5.120000e+02 : f32
    %div3A_501 = vector.broadcast %div3A_500 : f32 to vector<256x1xf32>
    %div3A_502 = arith.divf %broadcast_in_dim3A_499, %div3A_501 : vector<256x1xf32>
    %jit3A_503 = arith.constant 0 : i32
    %reduce_sum3A_504 = arith.constant dense<0.000000e+00> : vector<256xf32>
    %reduce_sum3A_505 = vector.multi_reduction <add>, %add3A_490, %reduce_sum3A_504 [1] : vector<256x512xf32> to vector<256xf32>
    %broadcast_in_dim3A_506 = vector.shape_cast %reduce_sum3A_505 : vector<256xf32> to vector<256x1xf32>
    %div3A_507 = arith.constant 5.120000e+02 : f32
    %div3A_508 = vector.broadcast %div3A_507 : f32 to vector<256x1xf32>
    %div3A_509 = arith.divf %broadcast_in_dim3A_506, %div3A_508 : vector<256x1xf32>
    %sub3A_510 = vector.broadcast %div3A_509 : vector<256x1xf32> to vector<256x512xf32>
    %sub3A_511 = arith.subf %add3A_490, %sub3A_510 : vector<256x512xf32>
    %square3A_512 = arith.mulf %sub3A_511, %sub3A_511 : vector<256x512xf32>
    %convert_element_type3A_513 = arith.sitofp %jit3A_503 : i32 to f32
    %sub3A_514 = arith.constant 5.120000e+02 : f32
    %sub3A_515 = arith.subf %sub3A_514, %convert_element_type3A_513 : f32
    %reduce_sum3A_516 = arith.constant dense<0.000000e+00> : vector<256xf32>
    %reduce_sum3A_517 = vector.multi_reduction <add>, %square3A_512, %reduce_sum3A_516 [1] : vector<256x512xf32> to vector<256xf32>
    %broadcast_in_dim3A_518 = vector.shape_cast %reduce_sum3A_517 : vector<256xf32> to vector<256x1xf32>
    %div3A_519 = vector.broadcast %sub3A_515 : f32 to vector<256x1xf32>
    %div3A_520 = arith.divf %broadcast_in_dim3A_518, %div3A_519 : vector<256x1xf32>
    %gt3A_521 = arith.constant 0.000000e+00 : f32
    %gt3A_522 = arith.cmpf ogt, %sub3A_515, %gt3A_521 : f32
    %jit3A_523 = arith.constant 0x7FC00000 : f32
    %broadcast_in_dim3A_524 = vector.broadcast %jit3A_523 : f32 to vector<256x1xf32>
    %select_n3A_525 = arith.select %gt3A_522, %div3A_520, %broadcast_in_dim3A_524 : vector<256x1xf32>
    %sub3A_526 = vector.broadcast %div3A_502 : vector<256x1xf32> to vector<256x512xf32>
    %sub3A_527 = arith.subf %add3A_490, %sub3A_526 : vector<256x512xf32>
    %add3A_528 = arith.constant 9.99999974E-6 : f32
    %add3A_529 = vector.broadcast %add3A_528 : f32 to vector<256x1xf32>
    %add3A_530 = arith.addf %select_n3A_525, %add3A_529 : vector<256x1xf32>
    %sqrt3A_531 = math.sqrt %add3A_530 : vector<256x1xf32>
    %div3A_532 = vector.broadcast %sqrt3A_531 : vector<256x1xf32> to vector<256x512xf32>
    %div3A_533 = arith.divf %sub3A_527, %div3A_532 : vector<256x512xf32>
    %mul3A_534 = vector.broadcast %get3A_493 : vector<1x512xf32> to vector<256x512xf32>
    %mul3A_535 = arith.mulf %div3A_533, %mul3A_534 : vector<256x512xf32>
    %add3A_536 = vector.broadcast %get3A_496 : vector<1x512xf32> to vector<256x512xf32>
    %add3A_537 = arith.addf %mul3A_535, %add3A_536 : vector<256x512xf32>
    %logistic3A_538 = arith.negf %add3A_537 : vector<256x512xf32>
    %logistic3A_539 = math.exp %logistic3A_538 : vector<256x512xf32>
    %logistic3A_540 = arith.constant 1.000000e+00 : f32
    %logistic3A_541 = vector.broadcast %logistic3A_540 : f32 to vector<256x512xf32>
    %logistic3A_542 = arith.addf %logistic3A_541, %logistic3A_539 : vector<256x512xf32>
    %logistic3A_543 = arith.divf %logistic3A_541, %logistic3A_542 : vector<256x512xf32>
    %mul3A_544 = arith.mulf %add3A_537, %logistic3A_543 : vector<256x512xf32>
    %get3A_545 = arith.constant 1 : index
    %get3A_546 = arith.constant 0 : index
    %get3A_547 = arith.constant 0 : index
    %get3A_548 = vector.load %arg27[%get3A_545, %get3A_546, %get3A_547] : memref<8x512x256xf32, #tpu.memory_space<vmem>>, vector<1x512x256xf32>
    %get3A_549 = vector.shape_cast %get3A_548 : vector<1x512x256xf32> to vector<512x256xf32>
    %dot_general3A_550 = arith.constant dense<0.000000e+00> : vector<256x256xf32>
    %dot_general3A_551 = tpu.matmul %mul3A_544, %get3A_549, %dot_general3A_550 {dimension_numbers = #tpu.dot_dimension_numbers<[1], [0], [0], [1], [0, 0, 1, 1], [], []>, transpose_lhs_hint = false} : vector<256x512xf32>, vector<512x256xf32>, vector<256x256xf32> -> vector<256x256xf32>
    %add3A_552 = arith.addf %add3A_456, %dot_general3A_551 : vector<256x256xf32>
    %get3A_553 = arith.constant 1 : index
    %get3A_554 = arith.constant 0 : index
    %get3A_555 = vector.load %arg28[%get3A_553, %get3A_554] : memref<8x256xf32, #tpu.memory_space<vmem>>, vector<1x256xf32>
    %add3A_556 = vector.broadcast %get3A_555 : vector<1x256xf32> to vector<256x256xf32>
    %add3A_557 = arith.addf %add3A_552, %add3A_556 : vector<256x256xf32>
    %slice3A_558 = vector.extract_strided_slice %reshape3A_357 {offsets = [0, 2, 0, 0], sizes = [8, 1, 32, 256], strides = [1, 1, 1, 1]} : vector<8x8x32x256xf32> to vector<8x1x32x256xf32>
    %squeeze3A_559 = vector.shape_cast %slice3A_558 : vector<8x1x32x256xf32> to vector<8x32x256xf32>
    %slice3A_560 = vector.extract_strided_slice %reshape3A_271 {offsets = [0, 0, 0, 2], sizes = [8, 32, 32, 1], strides = [1, 1, 1, 1]} : vector<8x32x32x8xf32> to vector<8x32x32x1xf32>
    %mul3A_561 = vector.broadcast %slice3A_560 : vector<8x32x32x1xf32> to vector<8x32x32x64xf32>
    %mul3A_562 = arith.mulf %mul3A_561, %reshape3A_267 : vector<8x32x32x64xf32>
    %reduce_sum3A_563 = arith.constant dense<0.000000e+00> : vector<8x32x64xf32>
    %reduce_sum3A_564 = vector.multi_reduction <add>, %mul3A_562, %reduce_sum3A_563 [2] : vector<8x32x32x64xf32> to vector<8x32x64xf32>
    %concatenate3A_565 = tpu.concatenate %squeeze3A_559, %reduce_sum3A_564 in 2 : vector<8x32x256xf32>, vector<8x32x64xf32> -> vector<8x32x320xf32>
    %reshape3A_566 = vector.shape_cast %concatenate3A_565 : vector<8x32x320xf32> to vector<256x320xf32>
    %get3A_567 = arith.constant 2 : index
    %get3A_568 = arith.constant 0 : index
    %get3A_569 = arith.constant 0 : index
    %get3A_570 = vector.load %arg29[%get3A_567, %get3A_568, %get3A_569] : memref<8x256x320xf32, #tpu.memory_space<vmem>>, vector<1x256x320xf32>
    %get3A_571 = vector.shape_cast %get3A_570 : vector<1x256x320xf32> to vector<256x320xf32>
    %dot_general3A_572 = arith.constant dense<0.000000e+00> : vector<256x320xf32>
    %dot_general3A_573 = tpu.matmul %get3A_3, %get3A_571, %dot_general3A_572 {dimension_numbers = #tpu.dot_dimension_numbers<[1], [0], [0], [1], [0, 0, 1, 1], [], []>, transpose_lhs_hint = false} : vector<256x256xf32>, vector<256x320xf32>, vector<256x320xf32> -> vector<256x320xf32>
    %get3A_574 = arith.constant 2 : index
    %get3A_575 = arith.constant 0 : index
    %get3A_576 = vector.load %arg30[%get3A_574, %get3A_575] : memref<8x320xf32, #tpu.memory_space<vmem>>, vector<1x320xf32>
    %add3A_577 = vector.broadcast %get3A_576 : vector<1x320xf32> to vector<256x320xf32>
    %add3A_578 = arith.addf %dot_general3A_573, %add3A_577 : vector<256x320xf32>
    %add3A_579 = arith.addf %reshape3A_566, %add3A_578 : vector<256x320xf32>
    %get3A_580 = arith.constant 2 : index
    %get3A_581 = arith.constant 0 : index
    %get3A_582 = arith.constant 0 : index
    %get3A_583 = vector.load %arg23[%get3A_580, %get3A_581, %get3A_582] : memref<8x320x512xf32, #tpu.memory_space<vmem>>, vector<1x320x512xf32>
    %get3A_584 = vector.shape_cast %get3A_583 : vector<1x320x512xf32> to vector<320x512xf32>
    %dot_general3A_585 = arith.constant dense<0.000000e+00> : vector<256x512xf32>
    %dot_general3A_586 = tpu.matmul %add3A_579, %get3A_584, %dot_general3A_585 {dimension_numbers = #tpu.dot_dimension_numbers<[1], [0], [0], [1], [0, 0, 1, 1], [], []>, transpose_lhs_hint = false} : vector<256x320xf32>, vector<320x512xf32>, vector<256x512xf32> -> vector<256x512xf32>
    %get3A_587 = arith.constant 2 : index
    %get3A_588 = arith.constant 0 : index
    %get3A_589 = vector.load %arg24[%get3A_587, %get3A_588] : memref<8x512xf32, #tpu.memory_space<vmem>>, vector<1x512xf32>
    %add3A_590 = vector.broadcast %get3A_589 : vector<1x512xf32> to vector<256x512xf32>
    %add3A_591 = arith.addf %dot_general3A_586, %add3A_590 : vector<256x512xf32>
    %get3A_592 = arith.constant 2 : index
    %get3A_593 = arith.constant 0 : index
    %get3A_594 = vector.load %arg25[%get3A_592, %get3A_593] : memref<8x512xf32, #tpu.memory_space<vmem>>, vector<1x512xf32>
    %get3A_595 = arith.constant 2 : index
    %get3A_596 = arith.constant 0 : index
    %get3A_597 = vector.load %arg26[%get3A_595, %get3A_596] : memref<8x512xf32, #tpu.memory_space<vmem>>, vector<1x512xf32>
    %reduce_sum3A_598 = arith.constant dense<0.000000e+00> : vector<256xf32>
    %reduce_sum3A_599 = vector.multi_reduction <add>, %add3A_591, %reduce_sum3A_598 [1] : vector<256x512xf32> to vector<256xf32>
    %broadcast_in_dim3A_600 = vector.shape_cast %reduce_sum3A_599 : vector<256xf32> to vector<256x1xf32>
    %div3A_601 = arith.constant 5.120000e+02 : f32
    %div3A_602 = vector.broadcast %div3A_601 : f32 to vector<256x1xf32>
    %div3A_603 = arith.divf %broadcast_in_dim3A_600, %div3A_602 : vector<256x1xf32>
    %jit3A_604 = arith.constant 0 : i32
    %reduce_sum3A_605 = arith.constant dense<0.000000e+00> : vector<256xf32>
    %reduce_sum3A_606 = vector.multi_reduction <add>, %add3A_591, %reduce_sum3A_605 [1] : vector<256x512xf32> to vector<256xf32>
    %broadcast_in_dim3A_607 = vector.shape_cast %reduce_sum3A_606 : vector<256xf32> to vector<256x1xf32>
    %div3A_608 = arith.constant 5.120000e+02 : f32
    %div3A_609 = vector.broadcast %div3A_608 : f32 to vector<256x1xf32>
    %div3A_610 = arith.divf %broadcast_in_dim3A_607, %div3A_609 : vector<256x1xf32>
    %sub3A_611 = vector.broadcast %div3A_610 : vector<256x1xf32> to vector<256x512xf32>
    %sub3A_612 = arith.subf %add3A_591, %sub3A_611 : vector<256x512xf32>
    %square3A_613 = arith.mulf %sub3A_612, %sub3A_612 : vector<256x512xf32>
    %convert_element_type3A_614 = arith.sitofp %jit3A_604 : i32 to f32
    %sub3A_615 = arith.constant 5.120000e+02 : f32
    %sub3A_616 = arith.subf %sub3A_615, %convert_element_type3A_614 : f32
    %reduce_sum3A_617 = arith.constant dense<0.000000e+00> : vector<256xf32>
    %reduce_sum3A_618 = vector.multi_reduction <add>, %square3A_613, %reduce_sum3A_617 [1] : vector<256x512xf32> to vector<256xf32>
    %broadcast_in_dim3A_619 = vector.shape_cast %reduce_sum3A_618 : vector<256xf32> to vector<256x1xf32>
    %div3A_620 = vector.broadcast %sub3A_616 : f32 to vector<256x1xf32>
    %div3A_621 = arith.divf %broadcast_in_dim3A_619, %div3A_620 : vector<256x1xf32>
    %gt3A_622 = arith.constant 0.000000e+00 : f32
    %gt3A_623 = arith.cmpf ogt, %sub3A_616, %gt3A_622 : f32
    %jit3A_624 = arith.constant 0x7FC00000 : f32
    %broadcast_in_dim3A_625 = vector.broadcast %jit3A_624 : f32 to vector<256x1xf32>
    %select_n3A_626 = arith.select %gt3A_623, %div3A_621, %broadcast_in_dim3A_625 : vector<256x1xf32>
    %sub3A_627 = vector.broadcast %div3A_603 : vector<256x1xf32> to vector<256x512xf32>
    %sub3A_628 = arith.subf %add3A_591, %sub3A_627 : vector<256x512xf32>
    %add3A_629 = arith.constant 9.99999974E-6 : f32
    %add3A_630 = vector.broadcast %add3A_629 : f32 to vector<256x1xf32>
    %add3A_631 = arith.addf %select_n3A_626, %add3A_630 : vector<256x1xf32>
    %sqrt3A_632 = math.sqrt %add3A_631 : vector<256x1xf32>
    %div3A_633 = vector.broadcast %sqrt3A_632 : vector<256x1xf32> to vector<256x512xf32>
    %div3A_634 = arith.divf %sub3A_628, %div3A_633 : vector<256x512xf32>
    %mul3A_635 = vector.broadcast %get3A_594 : vector<1x512xf32> to vector<256x512xf32>
    %mul3A_636 = arith.mulf %div3A_634, %mul3A_635 : vector<256x512xf32>
    %add3A_637 = vector.broadcast %get3A_597 : vector<1x512xf32> to vector<256x512xf32>
    %add3A_638 = arith.addf %mul3A_636, %add3A_637 : vector<256x512xf32>
    %logistic3A_639 = arith.negf %add3A_638 : vector<256x512xf32>
    %logistic3A_640 = math.exp %logistic3A_639 : vector<256x512xf32>
    %logistic3A_641 = arith.constant 1.000000e+00 : f32
    %logistic3A_642 = vector.broadcast %logistic3A_641 : f32 to vector<256x512xf32>
    %logistic3A_643 = arith.addf %logistic3A_642, %logistic3A_640 : vector<256x512xf32>
    %logistic3A_644 = arith.divf %logistic3A_642, %logistic3A_643 : vector<256x512xf32>
    %mul3A_645 = arith.mulf %add3A_638, %logistic3A_644 : vector<256x512xf32>
    %get3A_646 = arith.constant 2 : index
    %get3A_647 = arith.constant 0 : index
    %get3A_648 = arith.constant 0 : index
    %get3A_649 = vector.load %arg27[%get3A_646, %get3A_647, %get3A_648] : memref<8x512x256xf32, #tpu.memory_space<vmem>>, vector<1x512x256xf32>
    %get3A_650 = vector.shape_cast %get3A_649 : vector<1x512x256xf32> to vector<512x256xf32>
    %dot_general3A_651 = arith.constant dense<0.000000e+00> : vector<256x256xf32>
    %dot_general3A_652 = tpu.matmul %mul3A_645, %get3A_650, %dot_general3A_651 {dimension_numbers = #tpu.dot_dimension_numbers<[1], [0], [0], [1], [0, 0, 1, 1], [], []>, transpose_lhs_hint = false} : vector<256x512xf32>, vector<512x256xf32>, vector<256x256xf32> -> vector<256x256xf32>
    %add3A_653 = arith.addf %add3A_557, %dot_general3A_652 : vector<256x256xf32>
    %get3A_654 = arith.constant 2 : index
    %get3A_655 = arith.constant 0 : index
    %get3A_656 = vector.load %arg28[%get3A_654, %get3A_655] : memref<8x256xf32, #tpu.memory_space<vmem>>, vector<1x256xf32>
    %add3A_657 = vector.broadcast %get3A_656 : vector<1x256xf32> to vector<256x256xf32>
    %add3A_658 = arith.addf %add3A_653, %add3A_657 : vector<256x256xf32>
    %slice3A_659 = vector.extract_strided_slice %reshape3A_357 {offsets = [0, 3, 0, 0], sizes = [8, 1, 32, 256], strides = [1, 1, 1, 1]} : vector<8x8x32x256xf32> to vector<8x1x32x256xf32>
    %squeeze3A_660 = vector.shape_cast %slice3A_659 : vector<8x1x32x256xf32> to vector<8x32x256xf32>
    %slice3A_661 = vector.extract_strided_slice %reshape3A_271 {offsets = [0, 0, 0, 3], sizes = [8, 32, 32, 1], strides = [1, 1, 1, 1]} : vector<8x32x32x8xf32> to vector<8x32x32x1xf32>
    %mul3A_662 = vector.broadcast %slice3A_661 : vector<8x32x32x1xf32> to vector<8x32x32x64xf32>
    %mul3A_663 = arith.mulf %mul3A_662, %reshape3A_267 : vector<8x32x32x64xf32>
    %reduce_sum3A_664 = arith.constant dense<0.000000e+00> : vector<8x32x64xf32>
    %reduce_sum3A_665 = vector.multi_reduction <add>, %mul3A_663, %reduce_sum3A_664 [2] : vector<8x32x32x64xf32> to vector<8x32x64xf32>
    %concatenate3A_666 = tpu.concatenate %squeeze3A_660, %reduce_sum3A_665 in 2 : vector<8x32x256xf32>, vector<8x32x64xf32> -> vector<8x32x320xf32>
    %reshape3A_667 = vector.shape_cast %concatenate3A_666 : vector<8x32x320xf32> to vector<256x320xf32>
    %get3A_668 = arith.constant 3 : index
    %get3A_669 = arith.constant 0 : index
    %get3A_670 = arith.constant 0 : index
    %get3A_671 = vector.load %arg29[%get3A_668, %get3A_669, %get3A_670] : memref<8x256x320xf32, #tpu.memory_space<vmem>>, vector<1x256x320xf32>
    %get3A_672 = vector.shape_cast %get3A_671 : vector<1x256x320xf32> to vector<256x320xf32>
    %dot_general3A_673 = arith.constant dense<0.000000e+00> : vector<256x320xf32>
    %dot_general3A_674 = tpu.matmul %get3A_3, %get3A_672, %dot_general3A_673 {dimension_numbers = #tpu.dot_dimension_numbers<[1], [0], [0], [1], [0, 0, 1, 1], [], []>, transpose_lhs_hint = false} : vector<256x256xf32>, vector<256x320xf32>, vector<256x320xf32> -> vector<256x320xf32>
    %get3A_675 = arith.constant 3 : index
    %get3A_676 = arith.constant 0 : index
    %get3A_677 = vector.load %arg30[%get3A_675, %get3A_676] : memref<8x320xf32, #tpu.memory_space<vmem>>, vector<1x320xf32>
    %add3A_678 = vector.broadcast %get3A_677 : vector<1x320xf32> to vector<256x320xf32>
    %add3A_679 = arith.addf %dot_general3A_674, %add3A_678 : vector<256x320xf32>
    %add3A_680 = arith.addf %reshape3A_667, %add3A_679 : vector<256x320xf32>
    %get3A_681 = arith.constant 3 : index
    %get3A_682 = arith.constant 0 : index
    %get3A_683 = arith.constant 0 : index
    %get3A_684 = vector.load %arg23[%get3A_681, %get3A_682, %get3A_683] : memref<8x320x512xf32, #tpu.memory_space<vmem>>, vector<1x320x512xf32>
    %get3A_685 = vector.shape_cast %get3A_684 : vector<1x320x512xf32> to vector<320x512xf32>
    %dot_general3A_686 = arith.constant dense<0.000000e+00> : vector<256x512xf32>
    %dot_general3A_687 = tpu.matmul %add3A_680, %get3A_685, %dot_general3A_686 {dimension_numbers = #tpu.dot_dimension_numbers<[1], [0], [0], [1], [0, 0, 1, 1], [], []>, transpose_lhs_hint = false} : vector<256x320xf32>, vector<320x512xf32>, vector<256x512xf32> -> vector<256x512xf32>
    %get3A_688 = arith.constant 3 : index
    %get3A_689 = arith.constant 0 : index
    %get3A_690 = vector.load %arg24[%get3A_688, %get3A_689] : memref<8x512xf32, #tpu.memory_space<vmem>>, vector<1x512xf32>
    %add3A_691 = vector.broadcast %get3A_690 : vector<1x512xf32> to vector<256x512xf32>
    %add3A_692 = arith.addf %dot_general3A_687, %add3A_691 : vector<256x512xf32>
    %get3A_693 = arith.constant 3 : index
    %get3A_694 = arith.constant 0 : index
    %get3A_695 = vector.load %arg25[%get3A_693, %get3A_694] : memref<8x512xf32, #tpu.memory_space<vmem>>, vector<1x512xf32>
    %get3A_696 = arith.constant 3 : index
    %get3A_697 = arith.constant 0 : index
    %get3A_698 = vector.load %arg26[%get3A_696, %get3A_697] : memref<8x512xf32, #tpu.memory_space<vmem>>, vector<1x512xf32>
    %reduce_sum3A_699 = arith.constant dense<0.000000e+00> : vector<256xf32>
    %reduce_sum3A_700 = vector.multi_reduction <add>, %add3A_692, %reduce_sum3A_699 [1] : vector<256x512xf32> to vector<256xf32>
    %broadcast_in_dim3A_701 = vector.shape_cast %reduce_sum3A_700 : vector<256xf32> to vector<256x1xf32>
    %div3A_702 = arith.constant 5.120000e+02 : f32
    %div3A_703 = vector.broadcast %div3A_702 : f32 to vector<256x1xf32>
    %div3A_704 = arith.divf %broadcast_in_dim3A_701, %div3A_703 : vector<256x1xf32>
    %jit3A_705 = arith.constant 0 : i32
    %reduce_sum3A_706 = arith.constant dense<0.000000e+00> : vector<256xf32>
    %reduce_sum3A_707 = vector.multi_reduction <add>, %add3A_692, %reduce_sum3A_706 [1] : vector<256x512xf32> to vector<256xf32>
    %broadcast_in_dim3A_708 = vector.shape_cast %reduce_sum3A_707 : vector<256xf32> to vector<256x1xf32>
    %div3A_709 = arith.constant 5.120000e+02 : f32
    %div3A_710 = vector.broadcast %div3A_709 : f32 to vector<256x1xf32>
    %div3A_711 = arith.divf %broadcast_in_dim3A_708, %div3A_710 : vector<256x1xf32>
    %sub3A_712 = vector.broadcast %div3A_711 : vector<256x1xf32> to vector<256x512xf32>
    %sub3A_713 = arith.subf %add3A_692, %sub3A_712 : vector<256x512xf32>
    %square3A_714 = arith.mulf %sub3A_713, %sub3A_713 : vector<256x512xf32>
    %convert_element_type3A_715 = arith.sitofp %jit3A_705 : i32 to f32
    %sub3A_716 = arith.constant 5.120000e+02 : f32
    %sub3A_717 = arith.subf %sub3A_716, %convert_element_type3A_715 : f32
    %reduce_sum3A_718 = arith.constant dense<0.000000e+00> : vector<256xf32>
    %reduce_sum3A_719 = vector.multi_reduction <add>, %square3A_714, %reduce_sum3A_718 [1] : vector<256x512xf32> to vector<256xf32>
    %broadcast_in_dim3A_720 = vector.shape_cast %reduce_sum3A_719 : vector<256xf32> to vector<256x1xf32>
    %div3A_721 = vector.broadcast %sub3A_717 : f32 to vector<256x1xf32>
    %div3A_722 = arith.divf %broadcast_in_dim3A_720, %div3A_721 : vector<256x1xf32>
    %gt3A_723 = arith.constant 0.000000e+00 : f32
    %gt3A_724 = arith.cmpf ogt, %sub3A_717, %gt3A_723 : f32
    %jit3A_725 = arith.constant 0x7FC00000 : f32
    %broadcast_in_dim3A_726 = vector.broadcast %jit3A_725 : f32 to vector<256x1xf32>
    %select_n3A_727 = arith.select %gt3A_724, %div3A_722, %broadcast_in_dim3A_726 : vector<256x1xf32>
    %sub3A_728 = vector.broadcast %div3A_704 : vector<256x1xf32> to vector<256x512xf32>
    %sub3A_729 = arith.subf %add3A_692, %sub3A_728 : vector<256x512xf32>
    %add3A_730 = arith.constant 9.99999974E-6 : f32
    %add3A_731 = vector.broadcast %add3A_730 : f32 to vector<256x1xf32>
    %add3A_732 = arith.addf %select_n3A_727, %add3A_731 : vector<256x1xf32>
    %sqrt3A_733 = math.sqrt %add3A_732 : vector<256x1xf32>
    %div3A_734 = vector.broadcast %sqrt3A_733 : vector<256x1xf32> to vector<256x512xf32>
    %div3A_735 = arith.divf %sub3A_729, %div3A_734 : vector<256x512xf32>
    %mul3A_736 = vector.broadcast %get3A_695 : vector<1x512xf32> to vector<256x512xf32>
    %mul3A_737 = arith.mulf %div3A_735, %mul3A_736 : vector<256x512xf32>
    %add3A_738 = vector.broadcast %get3A_698 : vector<1x512xf32> to vector<256x512xf32>
    %add3A_739 = arith.addf %mul3A_737, %add3A_738 : vector<256x512xf32>
    %logistic3A_740 = arith.negf %add3A_739 : vector<256x512xf32>
    %logistic3A_741 = math.exp %logistic3A_740 : vector<256x512xf32>
    %logistic3A_742 = arith.constant 1.000000e+00 : f32
    %logistic3A_743 = vector.broadcast %logistic3A_742 : f32 to vector<256x512xf32>
    %logistic3A_744 = arith.addf %logistic3A_743, %logistic3A_741 : vector<256x512xf32>
    %logistic3A_745 = arith.divf %logistic3A_743, %logistic3A_744 : vector<256x512xf32>
    %mul3A_746 = arith.mulf %add3A_739, %logistic3A_745 : vector<256x512xf32>
    %get3A_747 = arith.constant 3 : index
    %get3A_748 = arith.constant 0 : index
    %get3A_749 = arith.constant 0 : index
    %get3A_750 = vector.load %arg27[%get3A_747, %get3A_748, %get3A_749] : memref<8x512x256xf32, #tpu.memory_space<vmem>>, vector<1x512x256xf32>
    %get3A_751 = vector.shape_cast %get3A_750 : vector<1x512x256xf32> to vector<512x256xf32>
    %dot_general3A_752 = arith.constant dense<0.000000e+00> : vector<256x256xf32>
    %dot_general3A_753 = tpu.matmul %mul3A_746, %get3A_751, %dot_general3A_752 {dimension_numbers = #tpu.dot_dimension_numbers<[1], [0], [0], [1], [0, 0, 1, 1], [], []>, transpose_lhs_hint = false} : vector<256x512xf32>, vector<512x256xf32>, vector<256x256xf32> -> vector<256x256xf32>
    %add3A_754 = arith.addf %add3A_658, %dot_general3A_753 : vector<256x256xf32>
    %get3A_755 = arith.constant 3 : index
    %get3A_756 = arith.constant 0 : index
    %get3A_757 = vector.load %arg28[%get3A_755, %get3A_756] : memref<8x256xf32, #tpu.memory_space<vmem>>, vector<1x256xf32>
    %add3A_758 = vector.broadcast %get3A_757 : vector<1x256xf32> to vector<256x256xf32>
    %add3A_759 = arith.addf %add3A_754, %add3A_758 : vector<256x256xf32>
    %slice3A_760 = vector.extract_strided_slice %reshape3A_357 {offsets = [0, 4, 0, 0], sizes = [8, 1, 32, 256], strides = [1, 1, 1, 1]} : vector<8x8x32x256xf32> to vector<8x1x32x256xf32>
    %squeeze3A_761 = vector.shape_cast %slice3A_760 : vector<8x1x32x256xf32> to vector<8x32x256xf32>
    %slice3A_762 = vector.extract_strided_slice %reshape3A_271 {offsets = [0, 0, 0, 4], sizes = [8, 32, 32, 1], strides = [1, 1, 1, 1]} : vector<8x32x32x8xf32> to vector<8x32x32x1xf32>
    %mul3A_763 = vector.broadcast %slice3A_762 : vector<8x32x32x1xf32> to vector<8x32x32x64xf32>
    %mul3A_764 = arith.mulf %mul3A_763, %reshape3A_267 : vector<8x32x32x64xf32>
    %reduce_sum3A_765 = arith.constant dense<0.000000e+00> : vector<8x32x64xf32>
    %reduce_sum3A_766 = vector.multi_reduction <add>, %mul3A_764, %reduce_sum3A_765 [2] : vector<8x32x32x64xf32> to vector<8x32x64xf32>
    %concatenate3A_767 = tpu.concatenate %squeeze3A_761, %reduce_sum3A_766 in 2 : vector<8x32x256xf32>, vector<8x32x64xf32> -> vector<8x32x320xf32>
    %reshape3A_768 = vector.shape_cast %concatenate3A_767 : vector<8x32x320xf32> to vector<256x320xf32>
    %get3A_769 = arith.constant 4 : index
    %get3A_770 = arith.constant 0 : index
    %get3A_771 = arith.constant 0 : index
    %get3A_772 = vector.load %arg29[%get3A_769, %get3A_770, %get3A_771] : memref<8x256x320xf32, #tpu.memory_space<vmem>>, vector<1x256x320xf32>
    %get3A_773 = vector.shape_cast %get3A_772 : vector<1x256x320xf32> to vector<256x320xf32>
    %dot_general3A_774 = arith.constant dense<0.000000e+00> : vector<256x320xf32>
    %dot_general3A_775 = tpu.matmul %get3A_3, %get3A_773, %dot_general3A_774 {dimension_numbers = #tpu.dot_dimension_numbers<[1], [0], [0], [1], [0, 0, 1, 1], [], []>, transpose_lhs_hint = false} : vector<256x256xf32>, vector<256x320xf32>, vector<256x320xf32> -> vector<256x320xf32>
    %get3A_776 = arith.constant 4 : index
    %get3A_777 = arith.constant 0 : index
    %get3A_778 = vector.load %arg30[%get3A_776, %get3A_777] : memref<8x320xf32, #tpu.memory_space<vmem>>, vector<1x320xf32>
    %add3A_779 = vector.broadcast %get3A_778 : vector<1x320xf32> to vector<256x320xf32>
    %add3A_780 = arith.addf %dot_general3A_775, %add3A_779 : vector<256x320xf32>
    %add3A_781 = arith.addf %reshape3A_768, %add3A_780 : vector<256x320xf32>
    %get3A_782 = arith.constant 4 : index
    %get3A_783 = arith.constant 0 : index
    %get3A_784 = arith.constant 0 : index
    %get3A_785 = vector.load %arg23[%get3A_782, %get3A_783, %get3A_784] : memref<8x320x512xf32, #tpu.memory_space<vmem>>, vector<1x320x512xf32>
    %get3A_786 = vector.shape_cast %get3A_785 : vector<1x320x512xf32> to vector<320x512xf32>
    %dot_general3A_787 = arith.constant dense<0.000000e+00> : vector<256x512xf32>
    %dot_general3A_788 = tpu.matmul %add3A_781, %get3A_786, %dot_general3A_787 {dimension_numbers = #tpu.dot_dimension_numbers<[1], [0], [0], [1], [0, 0, 1, 1], [], []>, transpose_lhs_hint = false} : vector<256x320xf32>, vector<320x512xf32>, vector<256x512xf32> -> vector<256x512xf32>
    %get3A_789 = arith.constant 4 : index
    %get3A_790 = arith.constant 0 : index
    %get3A_791 = vector.load %arg24[%get3A_789, %get3A_790] : memref<8x512xf32, #tpu.memory_space<vmem>>, vector<1x512xf32>
    %add3A_792 = vector.broadcast %get3A_791 : vector<1x512xf32> to vector<256x512xf32>
    %add3A_793 = arith.addf %dot_general3A_788, %add3A_792 : vector<256x512xf32>
    %get3A_794 = arith.constant 4 : index
    %get3A_795 = arith.constant 0 : index
    %get3A_796 = vector.load %arg25[%get3A_794, %get3A_795] : memref<8x512xf32, #tpu.memory_space<vmem>>, vector<1x512xf32>
    %get3A_797 = arith.constant 4 : index
    %get3A_798 = arith.constant 0 : index
    %get3A_799 = vector.load %arg26[%get3A_797, %get3A_798] : memref<8x512xf32, #tpu.memory_space<vmem>>, vector<1x512xf32>
    %reduce_sum3A_800 = arith.constant dense<0.000000e+00> : vector<256xf32>
    %reduce_sum3A_801 = vector.multi_reduction <add>, %add3A_793, %reduce_sum3A_800 [1] : vector<256x512xf32> to vector<256xf32>
    %broadcast_in_dim3A_802 = vector.shape_cast %reduce_sum3A_801 : vector<256xf32> to vector<256x1xf32>
    %div3A_803 = arith.constant 5.120000e+02 : f32
    %div3A_804 = vector.broadcast %div3A_803 : f32 to vector<256x1xf32>
    %div3A_805 = arith.divf %broadcast_in_dim3A_802, %div3A_804 : vector<256x1xf32>
    %jit3A_806 = arith.constant 0 : i32
    %reduce_sum3A_807 = arith.constant dense<0.000000e+00> : vector<256xf32>
    %reduce_sum3A_808 = vector.multi_reduction <add>, %add3A_793, %reduce_sum3A_807 [1] : vector<256x512xf32> to vector<256xf32>
    %broadcast_in_dim3A_809 = vector.shape_cast %reduce_sum3A_808 : vector<256xf32> to vector<256x1xf32>
    %div3A_810 = arith.constant 5.120000e+02 : f32
    %div3A_811 = vector.broadcast %div3A_810 : f32 to vector<256x1xf32>
    %div3A_812 = arith.divf %broadcast_in_dim3A_809, %div3A_811 : vector<256x1xf32>
    %sub3A_813 = vector.broadcast %div3A_812 : vector<256x1xf32> to vector<256x512xf32>
    %sub3A_814 = arith.subf %add3A_793, %sub3A_813 : vector<256x512xf32>
    %square3A_815 = arith.mulf %sub3A_814, %sub3A_814 : vector<256x512xf32>
    %convert_element_type3A_816 = arith.sitofp %jit3A_806 : i32 to f32
    %sub3A_817 = arith.constant 5.120000e+02 : f32
    %sub3A_818 = arith.subf %sub3A_817, %convert_element_type3A_816 : f32
    %reduce_sum3A_819 = arith.constant dense<0.000000e+00> : vector<256xf32>
    %reduce_sum3A_820 = vector.multi_reduction <add>, %square3A_815, %reduce_sum3A_819 [1] : vector<256x512xf32> to vector<256xf32>
    %broadcast_in_dim3A_821 = vector.shape_cast %reduce_sum3A_820 : vector<256xf32> to vector<256x1xf32>
    %div3A_822 = vector.broadcast %sub3A_818 : f32 to vector<256x1xf32>
    %div3A_823 = arith.divf %broadcast_in_dim3A_821, %div3A_822 : vector<256x1xf32>
    %gt3A_824 = arith.constant 0.000000e+00 : f32
    %gt3A_825 = arith.cmpf ogt, %sub3A_818, %gt3A_824 : f32
    %jit3A_826 = arith.constant 0x7FC00000 : f32
    %broadcast_in_dim3A_827 = vector.broadcast %jit3A_826 : f32 to vector<256x1xf32>
    %select_n3A_828 = arith.select %gt3A_825, %div3A_823, %broadcast_in_dim3A_827 : vector<256x1xf32>
    %sub3A_829 = vector.broadcast %div3A_805 : vector<256x1xf32> to vector<256x512xf32>
    %sub3A_830 = arith.subf %add3A_793, %sub3A_829 : vector<256x512xf32>
    %add3A_831 = arith.constant 9.99999974E-6 : f32
    %add3A_832 = vector.broadcast %add3A_831 : f32 to vector<256x1xf32>
    %add3A_833 = arith.addf %select_n3A_828, %add3A_832 : vector<256x1xf32>
    %sqrt3A_834 = math.sqrt %add3A_833 : vector<256x1xf32>
    %div3A_835 = vector.broadcast %sqrt3A_834 : vector<256x1xf32> to vector<256x512xf32>
    %div3A_836 = arith.divf %sub3A_830, %div3A_835 : vector<256x512xf32>
    %mul3A_837 = vector.broadcast %get3A_796 : vector<1x512xf32> to vector<256x512xf32>
    %mul3A_838 = arith.mulf %div3A_836, %mul3A_837 : vector<256x512xf32>
    %add3A_839 = vector.broadcast %get3A_799 : vector<1x512xf32> to vector<256x512xf32>
    %add3A_840 = arith.addf %mul3A_838, %add3A_839 : vector<256x512xf32>
    %logistic3A_841 = arith.negf %add3A_840 : vector<256x512xf32>
    %logistic3A_842 = math.exp %logistic3A_841 : vector<256x512xf32>
    %logistic3A_843 = arith.constant 1.000000e+00 : f32
    %logistic3A_844 = vector.broadcast %logistic3A_843 : f32 to vector<256x512xf32>
    %logistic3A_845 = arith.addf %logistic3A_844, %logistic3A_842 : vector<256x512xf32>
    %logistic3A_846 = arith.divf %logistic3A_844, %logistic3A_845 : vector<256x512xf32>
    %mul3A_847 = arith.mulf %add3A_840, %logistic3A_846 : vector<256x512xf32>
    %get3A_848 = arith.constant 4 : index
    %get3A_849 = arith.constant 0 : index
    %get3A_850 = arith.constant 0 : index
    %get3A_851 = vector.load %arg27[%get3A_848, %get3A_849, %get3A_850] : memref<8x512x256xf32, #tpu.memory_space<vmem>>, vector<1x512x256xf32>
    %get3A_852 = vector.shape_cast %get3A_851 : vector<1x512x256xf32> to vector<512x256xf32>
    %dot_general3A_853 = arith.constant dense<0.000000e+00> : vector<256x256xf32>
    %dot_general3A_854 = tpu.matmul %mul3A_847, %get3A_852, %dot_general3A_853 {dimension_numbers = #tpu.dot_dimension_numbers<[1], [0], [0], [1], [0, 0, 1, 1], [], []>, transpose_lhs_hint = false} : vector<256x512xf32>, vector<512x256xf32>, vector<256x256xf32> -> vector<256x256xf32>
    %add3A_855 = arith.addf %add3A_759, %dot_general3A_854 : vector<256x256xf32>
    %get3A_856 = arith.constant 4 : index
    %get3A_857 = arith.constant 0 : index
    %get3A_858 = vector.load %arg28[%get3A_856, %get3A_857] : memref<8x256xf32, #tpu.memory_space<vmem>>, vector<1x256xf32>
    %add3A_859 = vector.broadcast %get3A_858 : vector<1x256xf32> to vector<256x256xf32>
    %add3A_860 = arith.addf %add3A_855, %add3A_859 : vector<256x256xf32>
    %slice3A_861 = vector.extract_strided_slice %reshape3A_357 {offsets = [0, 5, 0, 0], sizes = [8, 1, 32, 256], strides = [1, 1, 1, 1]} : vector<8x8x32x256xf32> to vector<8x1x32x256xf32>
    %squeeze3A_862 = vector.shape_cast %slice3A_861 : vector<8x1x32x256xf32> to vector<8x32x256xf32>
    %slice3A_863 = vector.extract_strided_slice %reshape3A_271 {offsets = [0, 0, 0, 5], sizes = [8, 32, 32, 1], strides = [1, 1, 1, 1]} : vector<8x32x32x8xf32> to vector<8x32x32x1xf32>
    %mul3A_864 = vector.broadcast %slice3A_863 : vector<8x32x32x1xf32> to vector<8x32x32x64xf32>
    %mul3A_865 = arith.mulf %mul3A_864, %reshape3A_267 : vector<8x32x32x64xf32>
    %reduce_sum3A_866 = arith.constant dense<0.000000e+00> : vector<8x32x64xf32>
    %reduce_sum3A_867 = vector.multi_reduction <add>, %mul3A_865, %reduce_sum3A_866 [2] : vector<8x32x32x64xf32> to vector<8x32x64xf32>
    %concatenate3A_868 = tpu.concatenate %squeeze3A_862, %reduce_sum3A_867 in 2 : vector<8x32x256xf32>, vector<8x32x64xf32> -> vector<8x32x320xf32>
    %reshape3A_869 = vector.shape_cast %concatenate3A_868 : vector<8x32x320xf32> to vector<256x320xf32>
    %get3A_870 = arith.constant 5 : index
    %get3A_871 = arith.constant 0 : index
    %get3A_872 = arith.constant 0 : index
    %get3A_873 = vector.load %arg29[%get3A_870, %get3A_871, %get3A_872] : memref<8x256x320xf32, #tpu.memory_space<vmem>>, vector<1x256x320xf32>
    %get3A_874 = vector.shape_cast %get3A_873 : vector<1x256x320xf32> to vector<256x320xf32>
    %dot_general3A_875 = arith.constant dense<0.000000e+00> : vector<256x320xf32>
    %dot_general3A_876 = tpu.matmul %get3A_3, %get3A_874, %dot_general3A_875 {dimension_numbers = #tpu.dot_dimension_numbers<[1], [0], [0], [1], [0, 0, 1, 1], [], []>, transpose_lhs_hint = false} : vector<256x256xf32>, vector<256x320xf32>, vector<256x320xf32> -> vector<256x320xf32>
    %get3A_877 = arith.constant 5 : index
    %get3A_878 = arith.constant 0 : index
    %get3A_879 = vector.load %arg30[%get3A_877, %get3A_878] : memref<8x320xf32, #tpu.memory_space<vmem>>, vector<1x320xf32>
    %add3A_880 = vector.broadcast %get3A_879 : vector<1x320xf32> to vector<256x320xf32>
    %add3A_881 = arith.addf %dot_general3A_876, %add3A_880 : vector<256x320xf32>
    %add3A_882 = arith.addf %reshape3A_869, %add3A_881 : vector<256x320xf32>
    %get3A_883 = arith.constant 5 : index
    %get3A_884 = arith.constant 0 : index
    %get3A_885 = arith.constant 0 : index
    %get3A_886 = vector.load %arg23[%get3A_883, %get3A_884, %get3A_885] : memref<8x320x512xf32, #tpu.memory_space<vmem>>, vector<1x320x512xf32>
    %get3A_887 = vector.shape_cast %get3A_886 : vector<1x320x512xf32> to vector<320x512xf32>
    %dot_general3A_888 = arith.constant dense<0.000000e+00> : vector<256x512xf32>
    %dot_general3A_889 = tpu.matmul %add3A_882, %get3A_887, %dot_general3A_888 {dimension_numbers = #tpu.dot_dimension_numbers<[1], [0], [0], [1], [0, 0, 1, 1], [], []>, transpose_lhs_hint = false} : vector<256x320xf32>, vector<320x512xf32>, vector<256x512xf32> -> vector<256x512xf32>
    %get3A_890 = arith.constant 5 : index
    %get3A_891 = arith.constant 0 : index
    %get3A_892 = vector.load %arg24[%get3A_890, %get3A_891] : memref<8x512xf32, #tpu.memory_space<vmem>>, vector<1x512xf32>
    %add3A_893 = vector.broadcast %get3A_892 : vector<1x512xf32> to vector<256x512xf32>
    %add3A_894 = arith.addf %dot_general3A_889, %add3A_893 : vector<256x512xf32>
    %get3A_895 = arith.constant 5 : index
    %get3A_896 = arith.constant 0 : index
    %get3A_897 = vector.load %arg25[%get3A_895, %get3A_896] : memref<8x512xf32, #tpu.memory_space<vmem>>, vector<1x512xf32>
    %get3A_898 = arith.constant 5 : index
    %get3A_899 = arith.constant 0 : index
    %get3A_900 = vector.load %arg26[%get3A_898, %get3A_899] : memref<8x512xf32, #tpu.memory_space<vmem>>, vector<1x512xf32>
    %reduce_sum3A_901 = arith.constant dense<0.000000e+00> : vector<256xf32>
    %reduce_sum3A_902 = vector.multi_reduction <add>, %add3A_894, %reduce_sum3A_901 [1] : vector<256x512xf32> to vector<256xf32>
    %broadcast_in_dim3A_903 = vector.shape_cast %reduce_sum3A_902 : vector<256xf32> to vector<256x1xf32>
    %div3A_904 = arith.constant 5.120000e+02 : f32
    %div3A_905 = vector.broadcast %div3A_904 : f32 to vector<256x1xf32>
    %div3A_906 = arith.divf %broadcast_in_dim3A_903, %div3A_905 : vector<256x1xf32>
    %jit3A_907 = arith.constant 0 : i32
    %reduce_sum3A_908 = arith.constant dense<0.000000e+00> : vector<256xf32>
    %reduce_sum3A_909 = vector.multi_reduction <add>, %add3A_894, %reduce_sum3A_908 [1] : vector<256x512xf32> to vector<256xf32>
    %broadcast_in_dim3A_910 = vector.shape_cast %reduce_sum3A_909 : vector<256xf32> to vector<256x1xf32>
    %div3A_911 = arith.constant 5.120000e+02 : f32
    %div3A_912 = vector.broadcast %div3A_911 : f32 to vector<256x1xf32>
    %div3A_913 = arith.divf %broadcast_in_dim3A_910, %div3A_912 : vector<256x1xf32>
    %sub3A_914 = vector.broadcast %div3A_913 : vector<256x1xf32> to vector<256x512xf32>
    %sub3A_915 = arith.subf %add3A_894, %sub3A_914 : vector<256x512xf32>
    %square3A_916 = arith.mulf %sub3A_915, %sub3A_915 : vector<256x512xf32>
    %convert_element_type3A_917 = arith.sitofp %jit3A_907 : i32 to f32
    %sub3A_918 = arith.constant 5.120000e+02 : f32
    %sub3A_919 = arith.subf %sub3A_918, %convert_element_type3A_917 : f32
    %reduce_sum3A_920 = arith.constant dense<0.000000e+00> : vector<256xf32>
    %reduce_sum3A_921 = vector.multi_reduction <add>, %square3A_916, %reduce_sum3A_920 [1] : vector<256x512xf32> to vector<256xf32>
    %broadcast_in_dim3A_922 = vector.shape_cast %reduce_sum3A_921 : vector<256xf32> to vector<256x1xf32>
    %div3A_923 = vector.broadcast %sub3A_919 : f32 to vector<256x1xf32>
    %div3A_924 = arith.divf %broadcast_in_dim3A_922, %div3A_923 : vector<256x1xf32>
    %gt3A_925 = arith.constant 0.000000e+00 : f32
    %gt3A_926 = arith.cmpf ogt, %sub3A_919, %gt3A_925 : f32
    %jit3A_927 = arith.constant 0x7FC00000 : f32
    %broadcast_in_dim3A_928 = vector.broadcast %jit3A_927 : f32 to vector<256x1xf32>
    %select_n3A_929 = arith.select %gt3A_926, %div3A_924, %broadcast_in_dim3A_928 : vector<256x1xf32>
    %sub3A_930 = vector.broadcast %div3A_906 : vector<256x1xf32> to vector<256x512xf32>
    %sub3A_931 = arith.subf %add3A_894, %sub3A_930 : vector<256x512xf32>
    %add3A_932 = arith.constant 9.99999974E-6 : f32
    %add3A_933 = vector.broadcast %add3A_932 : f32 to vector<256x1xf32>
    %add3A_934 = arith.addf %select_n3A_929, %add3A_933 : vector<256x1xf32>
    %sqrt3A_935 = math.sqrt %add3A_934 : vector<256x1xf32>
    %div3A_936 = vector.broadcast %sqrt3A_935 : vector<256x1xf32> to vector<256x512xf32>
    %div3A_937 = arith.divf %sub3A_931, %div3A_936 : vector<256x512xf32>
    %mul3A_938 = vector.broadcast %get3A_897 : vector<1x512xf32> to vector<256x512xf32>
    %mul3A_939 = arith.mulf %div3A_937, %mul3A_938 : vector<256x512xf32>
    %add3A_940 = vector.broadcast %get3A_900 : vector<1x512xf32> to vector<256x512xf32>
    %add3A_941 = arith.addf %mul3A_939, %add3A_940 : vector<256x512xf32>
    %logistic3A_942 = arith.negf %add3A_941 : vector<256x512xf32>
    %logistic3A_943 = math.exp %logistic3A_942 : vector<256x512xf32>
    %logistic3A_944 = arith.constant 1.000000e+00 : f32
    %logistic3A_945 = vector.broadcast %logistic3A_944 : f32 to vector<256x512xf32>
    %logistic3A_946 = arith.addf %logistic3A_945, %logistic3A_943 : vector<256x512xf32>
    %logistic3A_947 = arith.divf %logistic3A_945, %logistic3A_946 : vector<256x512xf32>
    %mul3A_948 = arith.mulf %add3A_941, %logistic3A_947 : vector<256x512xf32>
    %get3A_949 = arith.constant 5 : index
    %get3A_950 = arith.constant 0 : index
    %get3A_951 = arith.constant 0 : index
    %get3A_952 = vector.load %arg27[%get3A_949, %get3A_950, %get3A_951] : memref<8x512x256xf32, #tpu.memory_space<vmem>>, vector<1x512x256xf32>
    %get3A_953 = vector.shape_cast %get3A_952 : vector<1x512x256xf32> to vector<512x256xf32>
    %dot_general3A_954 = arith.constant dense<0.000000e+00> : vector<256x256xf32>
    %dot_general3A_955 = tpu.matmul %mul3A_948, %get3A_953, %dot_general3A_954 {dimension_numbers = #tpu.dot_dimension_numbers<[1], [0], [0], [1], [0, 0, 1, 1], [], []>, transpose_lhs_hint = false} : vector<256x512xf32>, vector<512x256xf32>, vector<256x256xf32> -> vector<256x256xf32>
    %add3A_956 = arith.addf %add3A_860, %dot_general3A_955 : vector<256x256xf32>
    %get3A_957 = arith.constant 5 : index
    %get3A_958 = arith.constant 0 : index
    %get3A_959 = vector.load %arg28[%get3A_957, %get3A_958] : memref<8x256xf32, #tpu.memory_space<vmem>>, vector<1x256xf32>
    %add3A_960 = vector.broadcast %get3A_959 : vector<1x256xf32> to vector<256x256xf32>
    %add3A_961 = arith.addf %add3A_956, %add3A_960 : vector<256x256xf32>
    %slice3A_962 = vector.extract_strided_slice %reshape3A_357 {offsets = [0, 6, 0, 0], sizes = [8, 1, 32, 256], strides = [1, 1, 1, 1]} : vector<8x8x32x256xf32> to vector<8x1x32x256xf32>
    %squeeze3A_963 = vector.shape_cast %slice3A_962 : vector<8x1x32x256xf32> to vector<8x32x256xf32>
    %slice3A_964 = vector.extract_strided_slice %reshape3A_271 {offsets = [0, 0, 0, 6], sizes = [8, 32, 32, 1], strides = [1, 1, 1, 1]} : vector<8x32x32x8xf32> to vector<8x32x32x1xf32>
    %mul3A_965 = vector.broadcast %slice3A_964 : vector<8x32x32x1xf32> to vector<8x32x32x64xf32>
    %mul3A_966 = arith.mulf %mul3A_965, %reshape3A_267 : vector<8x32x32x64xf32>
    %reduce_sum3A_967 = arith.constant dense<0.000000e+00> : vector<8x32x64xf32>
    %reduce_sum3A_968 = vector.multi_reduction <add>, %mul3A_966, %reduce_sum3A_967 [2] : vector<8x32x32x64xf32> to vector<8x32x64xf32>
    %concatenate3A_969 = tpu.concatenate %squeeze3A_963, %reduce_sum3A_968 in 2 : vector<8x32x256xf32>, vector<8x32x64xf32> -> vector<8x32x320xf32>
    %reshape3A_970 = vector.shape_cast %concatenate3A_969 : vector<8x32x320xf32> to vector<256x320xf32>
    %get3A_971 = arith.constant 6 : index
    %get3A_972 = arith.constant 0 : index
    %get3A_973 = arith.constant 0 : index
    %get3A_974 = vector.load %arg29[%get3A_971, %get3A_972, %get3A_973] : memref<8x256x320xf32, #tpu.memory_space<vmem>>, vector<1x256x320xf32>
    %get3A_975 = vector.shape_cast %get3A_974 : vector<1x256x320xf32> to vector<256x320xf32>
    %dot_general3A_976 = arith.constant dense<0.000000e+00> : vector<256x320xf32>
    %dot_general3A_977 = tpu.matmul %get3A_3, %get3A_975, %dot_general3A_976 {dimension_numbers = #tpu.dot_dimension_numbers<[1], [0], [0], [1], [0, 0, 1, 1], [], []>, transpose_lhs_hint = false} : vector<256x256xf32>, vector<256x320xf32>, vector<256x320xf32> -> vector<256x320xf32>
    %get3A_978 = arith.constant 6 : index
    %get3A_979 = arith.constant 0 : index
    %get3A_980 = vector.load %arg30[%get3A_978, %get3A_979] : memref<8x320xf32, #tpu.memory_space<vmem>>, vector<1x320xf32>
    %add3A_981 = vector.broadcast %get3A_980 : vector<1x320xf32> to vector<256x320xf32>
    %add3A_982 = arith.addf %dot_general3A_977, %add3A_981 : vector<256x320xf32>
    %add3A_983 = arith.addf %reshape3A_970, %add3A_982 : vector<256x320xf32>
    %get3A_984 = arith.constant 6 : index
    %get3A_985 = arith.constant 0 : index
    %get3A_986 = arith.constant 0 : index
    %get3A_987 = vector.load %arg23[%get3A_984, %get3A_985, %get3A_986] : memref<8x320x512xf32, #tpu.memory_space<vmem>>, vector<1x320x512xf32>
    %get3A_988 = vector.shape_cast %get3A_987 : vector<1x320x512xf32> to vector<320x512xf32>
    %dot_general3A_989 = arith.constant dense<0.000000e+00> : vector<256x512xf32>
    %dot_general3A_990 = tpu.matmul %add3A_983, %get3A_988, %dot_general3A_989 {dimension_numbers = #tpu.dot_dimension_numbers<[1], [0], [0], [1], [0, 0, 1, 1], [], []>, transpose_lhs_hint = false} : vector<256x320xf32>, vector<320x512xf32>, vector<256x512xf32> -> vector<256x512xf32>
    %get3A_991 = arith.constant 6 : index
    %get3A_992 = arith.constant 0 : index
    %get3A_993 = vector.load %arg24[%get3A_991, %get3A_992] : memref<8x512xf32, #tpu.memory_space<vmem>>, vector<1x512xf32>
    %add3A_994 = vector.broadcast %get3A_993 : vector<1x512xf32> to vector<256x512xf32>
    %add3A_995 = arith.addf %dot_general3A_990, %add3A_994 : vector<256x512xf32>
    %get3A_996 = arith.constant 6 : index
    %get3A_997 = arith.constant 0 : index
    %get3A_998 = vector.load %arg25[%get3A_996, %get3A_997] : memref<8x512xf32, #tpu.memory_space<vmem>>, vector<1x512xf32>
    %get3A_999 = arith.constant 6 : index
    %get3A_1000 = arith.constant 0 : index
    %get3A_1001 = vector.load %arg26[%get3A_999, %get3A_1000] : memref<8x512xf32, #tpu.memory_space<vmem>>, vector<1x512xf32>
    %reduce_sum3A_1002 = arith.constant dense<0.000000e+00> : vector<256xf32>
    %reduce_sum3A_1003 = vector.multi_reduction <add>, %add3A_995, %reduce_sum3A_1002 [1] : vector<256x512xf32> to vector<256xf32>
    %broadcast_in_dim3A_1004 = vector.shape_cast %reduce_sum3A_1003 : vector<256xf32> to vector<256x1xf32>
    %div3A_1005 = arith.constant 5.120000e+02 : f32
    %div3A_1006 = vector.broadcast %div3A_1005 : f32 to vector<256x1xf32>
    %div3A_1007 = arith.divf %broadcast_in_dim3A_1004, %div3A_1006 : vector<256x1xf32>
    %jit3A_1008 = arith.constant 0 : i32
    %reduce_sum3A_1009 = arith.constant dense<0.000000e+00> : vector<256xf32>
    %reduce_sum3A_1010 = vector.multi_reduction <add>, %add3A_995, %reduce_sum3A_1009 [1] : vector<256x512xf32> to vector<256xf32>
    %broadcast_in_dim3A_1011 = vector.shape_cast %reduce_sum3A_1010 : vector<256xf32> to vector<256x1xf32>
    %div3A_1012 = arith.constant 5.120000e+02 : f32
    %div3A_1013 = vector.broadcast %div3A_1012 : f32 to vector<256x1xf32>
    %div3A_1014 = arith.divf %broadcast_in_dim3A_1011, %div3A_1013 : vector<256x1xf32>
    %sub3A_1015 = vector.broadcast %div3A_1014 : vector<256x1xf32> to vector<256x512xf32>
    %sub3A_1016 = arith.subf %add3A_995, %sub3A_1015 : vector<256x512xf32>
    %square3A_1017 = arith.mulf %sub3A_1016, %sub3A_1016 : vector<256x512xf32>
    %convert_element_type3A_1018 = arith.sitofp %jit3A_1008 : i32 to f32
    %sub3A_1019 = arith.constant 5.120000e+02 : f32
    %sub3A_1020 = arith.subf %sub3A_1019, %convert_element_type3A_1018 : f32
    %reduce_sum3A_1021 = arith.constant dense<0.000000e+00> : vector<256xf32>
    %reduce_sum3A_1022 = vector.multi_reduction <add>, %square3A_1017, %reduce_sum3A_1021 [1] : vector<256x512xf32> to vector<256xf32>
    %broadcast_in_dim3A_1023 = vector.shape_cast %reduce_sum3A_1022 : vector<256xf32> to vector<256x1xf32>
    %div3A_1024 = vector.broadcast %sub3A_1020 : f32 to vector<256x1xf32>
    %div3A_1025 = arith.divf %broadcast_in_dim3A_1023, %div3A_1024 : vector<256x1xf32>
    %gt3A_1026 = arith.constant 0.000000e+00 : f32
    %gt3A_1027 = arith.cmpf ogt, %sub3A_1020, %gt3A_1026 : f32
    %jit3A_1028 = arith.constant 0x7FC00000 : f32
    %broadcast_in_dim3A_1029 = vector.broadcast %jit3A_1028 : f32 to vector<256x1xf32>
    %select_n3A_1030 = arith.select %gt3A_1027, %div3A_1025, %broadcast_in_dim3A_1029 : vector<256x1xf32>
    %sub3A_1031 = vector.broadcast %div3A_1007 : vector<256x1xf32> to vector<256x512xf32>
    %sub3A_1032 = arith.subf %add3A_995, %sub3A_1031 : vector<256x512xf32>
    %add3A_1033 = arith.constant 9.99999974E-6 : f32
    %add3A_1034 = vector.broadcast %add3A_1033 : f32 to vector<256x1xf32>
    %add3A_1035 = arith.addf %select_n3A_1030, %add3A_1034 : vector<256x1xf32>
    %sqrt3A_1036 = math.sqrt %add3A_1035 : vector<256x1xf32>
    %div3A_1037 = vector.broadcast %sqrt3A_1036 : vector<256x1xf32> to vector<256x512xf32>
    %div3A_1038 = arith.divf %sub3A_1032, %div3A_1037 : vector<256x512xf32>
    %mul3A_1039 = vector.broadcast %get3A_998 : vector<1x512xf32> to vector<256x512xf32>
    %mul3A_1040 = arith.mulf %div3A_1038, %mul3A_1039 : vector<256x512xf32>
    %add3A_1041 = vector.broadcast %get3A_1001 : vector<1x512xf32> to vector<256x512xf32>
    %add3A_1042 = arith.addf %mul3A_1040, %add3A_1041 : vector<256x512xf32>
    %logistic3A_1043 = arith.negf %add3A_1042 : vector<256x512xf32>
    %logistic3A_1044 = math.exp %logistic3A_1043 : vector<256x512xf32>
    %logistic3A_1045 = arith.constant 1.000000e+00 : f32
    %logistic3A_1046 = vector.broadcast %logistic3A_1045 : f32 to vector<256x512xf32>
    %logistic3A_1047 = arith.addf %logistic3A_1046, %logistic3A_1044 : vector<256x512xf32>
    %logistic3A_1048 = arith.divf %logistic3A_1046, %logistic3A_1047 : vector<256x512xf32>
    %mul3A_1049 = arith.mulf %add3A_1042, %logistic3A_1048 : vector<256x512xf32>
    %get3A_1050 = arith.constant 6 : index
    %get3A_1051 = arith.constant 0 : index
    %get3A_1052 = arith.constant 0 : index
    %get3A_1053 = vector.load %arg27[%get3A_1050, %get3A_1051, %get3A_1052] : memref<8x512x256xf32, #tpu.memory_space<vmem>>, vector<1x512x256xf32>
    %get3A_1054 = vector.shape_cast %get3A_1053 : vector<1x512x256xf32> to vector<512x256xf32>
    %dot_general3A_1055 = arith.constant dense<0.000000e+00> : vector<256x256xf32>
    %dot_general3A_1056 = tpu.matmul %mul3A_1049, %get3A_1054, %dot_general3A_1055 {dimension_numbers = #tpu.dot_dimension_numbers<[1], [0], [0], [1], [0, 0, 1, 1], [], []>, transpose_lhs_hint = false} : vector<256x512xf32>, vector<512x256xf32>, vector<256x256xf32> -> vector<256x256xf32>
    %add3A_1057 = arith.addf %add3A_961, %dot_general3A_1056 : vector<256x256xf32>
    %get3A_1058 = arith.constant 6 : index
    %get3A_1059 = arith.constant 0 : index
    %get3A_1060 = vector.load %arg28[%get3A_1058, %get3A_1059] : memref<8x256xf32, #tpu.memory_space<vmem>>, vector<1x256xf32>
    %add3A_1061 = vector.broadcast %get3A_1060 : vector<1x256xf32> to vector<256x256xf32>
    %add3A_1062 = arith.addf %add3A_1057, %add3A_1061 : vector<256x256xf32>
    %slice3A_1063 = vector.extract_strided_slice %reshape3A_357 {offsets = [0, 7, 0, 0], sizes = [8, 1, 32, 256], strides = [1, 1, 1, 1]} : vector<8x8x32x256xf32> to vector<8x1x32x256xf32>
    %squeeze3A_1064 = vector.shape_cast %slice3A_1063 : vector<8x1x32x256xf32> to vector<8x32x256xf32>
    %slice3A_1065 = vector.extract_strided_slice %reshape3A_271 {offsets = [0, 0, 0, 7], sizes = [8, 32, 32, 1], strides = [1, 1, 1, 1]} : vector<8x32x32x8xf32> to vector<8x32x32x1xf32>
    %mul3A_1066 = vector.broadcast %slice3A_1065 : vector<8x32x32x1xf32> to vector<8x32x32x64xf32>
    %mul3A_1067 = arith.mulf %mul3A_1066, %reshape3A_267 : vector<8x32x32x64xf32>
    %reduce_sum3A_1068 = arith.constant dense<0.000000e+00> : vector<8x32x64xf32>
    %reduce_sum3A_1069 = vector.multi_reduction <add>, %mul3A_1067, %reduce_sum3A_1068 [2] : vector<8x32x32x64xf32> to vector<8x32x64xf32>
    %concatenate3A_1070 = tpu.concatenate %squeeze3A_1064, %reduce_sum3A_1069 in 2 : vector<8x32x256xf32>, vector<8x32x64xf32> -> vector<8x32x320xf32>
    %reshape3A_1071 = vector.shape_cast %concatenate3A_1070 : vector<8x32x320xf32> to vector<256x320xf32>
    %get3A_1072 = arith.constant 7 : index
    %get3A_1073 = arith.constant 0 : index
    %get3A_1074 = arith.constant 0 : index
    %get3A_1075 = vector.load %arg29[%get3A_1072, %get3A_1073, %get3A_1074] : memref<8x256x320xf32, #tpu.memory_space<vmem>>, vector<1x256x320xf32>
    %get3A_1076 = vector.shape_cast %get3A_1075 : vector<1x256x320xf32> to vector<256x320xf32>
    %dot_general3A_1077 = arith.constant dense<0.000000e+00> : vector<256x320xf32>
    %dot_general3A_1078 = tpu.matmul %get3A_3, %get3A_1076, %dot_general3A_1077 {dimension_numbers = #tpu.dot_dimension_numbers<[1], [0], [0], [1], [0, 0, 1, 1], [], []>, transpose_lhs_hint = false} : vector<256x256xf32>, vector<256x320xf32>, vector<256x320xf32> -> vector<256x320xf32>
    %get3A_1079 = arith.constant 7 : index
    %get3A_1080 = arith.constant 0 : index
    %get3A_1081 = vector.load %arg30[%get3A_1079, %get3A_1080] : memref<8x320xf32, #tpu.memory_space<vmem>>, vector<1x320xf32>
    %add3A_1082 = vector.broadcast %get3A_1081 : vector<1x320xf32> to vector<256x320xf32>
    %add3A_1083 = arith.addf %dot_general3A_1078, %add3A_1082 : vector<256x320xf32>
    %add3A_1084 = arith.addf %reshape3A_1071, %add3A_1083 : vector<256x320xf32>
    %get3A_1085 = arith.constant 7 : index
    %get3A_1086 = arith.constant 0 : index
    %get3A_1087 = arith.constant 0 : index
    %get3A_1088 = vector.load %arg23[%get3A_1085, %get3A_1086, %get3A_1087] : memref<8x320x512xf32, #tpu.memory_space<vmem>>, vector<1x320x512xf32>
    %get3A_1089 = vector.shape_cast %get3A_1088 : vector<1x320x512xf32> to vector<320x512xf32>
    %dot_general3A_1090 = arith.constant dense<0.000000e+00> : vector<256x512xf32>
    %dot_general3A_1091 = tpu.matmul %add3A_1084, %get3A_1089, %dot_general3A_1090 {dimension_numbers = #tpu.dot_dimension_numbers<[1], [0], [0], [1], [0, 0, 1, 1], [], []>, transpose_lhs_hint = false} : vector<256x320xf32>, vector<320x512xf32>, vector<256x512xf32> -> vector<256x512xf32>
    %get3A_1092 = arith.constant 7 : index
    %get3A_1093 = arith.constant 0 : index
    %get3A_1094 = vector.load %arg24[%get3A_1092, %get3A_1093] : memref<8x512xf32, #tpu.memory_space<vmem>>, vector<1x512xf32>
    %add3A_1095 = vector.broadcast %get3A_1094 : vector<1x512xf32> to vector<256x512xf32>
    %add3A_1096 = arith.addf %dot_general3A_1091, %add3A_1095 : vector<256x512xf32>
    %get3A_1097 = arith.constant 7 : index
    %get3A_1098 = arith.constant 0 : index
    %get3A_1099 = vector.load %arg25[%get3A_1097, %get3A_1098] : memref<8x512xf32, #tpu.memory_space<vmem>>, vector<1x512xf32>
    %get3A_1100 = arith.constant 7 : index
    %get3A_1101 = arith.constant 0 : index
    %get3A_1102 = vector.load %arg26[%get3A_1100, %get3A_1101] : memref<8x512xf32, #tpu.memory_space<vmem>>, vector<1x512xf32>
    %reduce_sum3A_1103 = arith.constant dense<0.000000e+00> : vector<256xf32>
    %reduce_sum3A_1104 = vector.multi_reduction <add>, %add3A_1096, %reduce_sum3A_1103 [1] : vector<256x512xf32> to vector<256xf32>
    %broadcast_in_dim3A_1105 = vector.shape_cast %reduce_sum3A_1104 : vector<256xf32> to vector<256x1xf32>
    %div3A_1106 = arith.constant 5.120000e+02 : f32
    %div3A_1107 = vector.broadcast %div3A_1106 : f32 to vector<256x1xf32>
    %div3A_1108 = arith.divf %broadcast_in_dim3A_1105, %div3A_1107 : vector<256x1xf32>
    %jit3A_1109 = arith.constant 0 : i32
    %reduce_sum3A_1110 = arith.constant dense<0.000000e+00> : vector<256xf32>
    %reduce_sum3A_1111 = vector.multi_reduction <add>, %add3A_1096, %reduce_sum3A_1110 [1] : vector<256x512xf32> to vector<256xf32>
    %broadcast_in_dim3A_1112 = vector.shape_cast %reduce_sum3A_1111 : vector<256xf32> to vector<256x1xf32>
    %div3A_1113 = arith.constant 5.120000e+02 : f32
    %div3A_1114 = vector.broadcast %div3A_1113 : f32 to vector<256x1xf32>
    %div3A_1115 = arith.divf %broadcast_in_dim3A_1112, %div3A_1114 : vector<256x1xf32>
    %sub3A_1116 = vector.broadcast %div3A_1115 : vector<256x1xf32> to vector<256x512xf32>
    %sub3A_1117 = arith.subf %add3A_1096, %sub3A_1116 : vector<256x512xf32>
    %square3A_1118 = arith.mulf %sub3A_1117, %sub3A_1117 : vector<256x512xf32>
    %convert_element_type3A_1119 = arith.sitofp %jit3A_1109 : i32 to f32
    %sub3A_1120 = arith.constant 5.120000e+02 : f32
    %sub3A_1121 = arith.subf %sub3A_1120, %convert_element_type3A_1119 : f32
    %reduce_sum3A_1122 = arith.constant dense<0.000000e+00> : vector<256xf32>
    %reduce_sum3A_1123 = vector.multi_reduction <add>, %square3A_1118, %reduce_sum3A_1122 [1] : vector<256x512xf32> to vector<256xf32>
    %broadcast_in_dim3A_1124 = vector.shape_cast %reduce_sum3A_1123 : vector<256xf32> to vector<256x1xf32>
    %div3A_1125 = vector.broadcast %sub3A_1121 : f32 to vector<256x1xf32>
    %div3A_1126 = arith.divf %broadcast_in_dim3A_1124, %div3A_1125 : vector<256x1xf32>
    %gt3A_1127 = arith.constant 0.000000e+00 : f32
    %gt3A_1128 = arith.cmpf ogt, %sub3A_1121, %gt3A_1127 : f32
    %jit3A_1129 = arith.constant 0x7FC00000 : f32
    %broadcast_in_dim3A_1130 = vector.broadcast %jit3A_1129 : f32 to vector<256x1xf32>
    %select_n3A_1131 = arith.select %gt3A_1128, %div3A_1126, %broadcast_in_dim3A_1130 : vector<256x1xf32>
    %sub3A_1132 = vector.broadcast %div3A_1108 : vector<256x1xf32> to vector<256x512xf32>
    %sub3A_1133 = arith.subf %add3A_1096, %sub3A_1132 : vector<256x512xf32>
    %add3A_1134 = arith.constant 9.99999974E-6 : f32
    %add3A_1135 = vector.broadcast %add3A_1134 : f32 to vector<256x1xf32>
    %add3A_1136 = arith.addf %select_n3A_1131, %add3A_1135 : vector<256x1xf32>
    %sqrt3A_1137 = math.sqrt %add3A_1136 : vector<256x1xf32>
    %div3A_1138 = vector.broadcast %sqrt3A_1137 : vector<256x1xf32> to vector<256x512xf32>
    %div3A_1139 = arith.divf %sub3A_1133, %div3A_1138 : vector<256x512xf32>
    %mul3A_1140 = vector.broadcast %get3A_1099 : vector<1x512xf32> to vector<256x512xf32>
    %mul3A_1141 = arith.mulf %div3A_1139, %mul3A_1140 : vector<256x512xf32>
    %add3A_1142 = vector.broadcast %get3A_1102 : vector<1x512xf32> to vector<256x512xf32>
    %add3A_1143 = arith.addf %mul3A_1141, %add3A_1142 : vector<256x512xf32>
    %logistic3A_1144 = arith.negf %add3A_1143 : vector<256x512xf32>
    %logistic3A_1145 = math.exp %logistic3A_1144 : vector<256x512xf32>
    %logistic3A_1146 = arith.constant 1.000000e+00 : f32
    %logistic3A_1147 = vector.broadcast %logistic3A_1146 : f32 to vector<256x512xf32>
    %logistic3A_1148 = arith.addf %logistic3A_1147, %logistic3A_1145 : vector<256x512xf32>
    %logistic3A_1149 = arith.divf %logistic3A_1147, %logistic3A_1148 : vector<256x512xf32>
    %mul3A_1150 = arith.mulf %add3A_1143, %logistic3A_1149 : vector<256x512xf32>
    %get3A_1151 = arith.constant 7 : index
    %get3A_1152 = arith.constant 0 : index
    %get3A_1153 = arith.constant 0 : index
    %get3A_1154 = vector.load %arg27[%get3A_1151, %get3A_1152, %get3A_1153] : memref<8x512x256xf32, #tpu.memory_space<vmem>>, vector<1x512x256xf32>
    %get3A_1155 = vector.shape_cast %get3A_1154 : vector<1x512x256xf32> to vector<512x256xf32>
    %dot_general3A_1156 = arith.constant dense<0.000000e+00> : vector<256x256xf32>
    %dot_general3A_1157 = tpu.matmul %mul3A_1150, %get3A_1155, %dot_general3A_1156 {dimension_numbers = #tpu.dot_dimension_numbers<[1], [0], [0], [1], [0, 0, 1, 1], [], []>, transpose_lhs_hint = false} : vector<256x512xf32>, vector<512x256xf32>, vector<256x256xf32> -> vector<256x256xf32>
    %add3A_1158 = arith.addf %add3A_1062, %dot_general3A_1157 : vector<256x256xf32>
    %get3A_1159 = arith.constant 7 : index
    %get3A_1160 = arith.constant 0 : index
    %get3A_1161 = vector.load %arg28[%get3A_1159, %get3A_1160] : memref<8x256xf32, #tpu.memory_space<vmem>>, vector<1x256xf32>
    %add3A_1162 = vector.broadcast %get3A_1161 : vector<1x256xf32> to vector<256x256xf32>
    %add3A_1163 = arith.addf %add3A_1158, %add3A_1162 : vector<256x256xf32>
    %swap3A_1164 = arith.constant 0 : index
    %swap3A_1165 = arith.constant 0 : index
    %swap3A_1166 = vector.load %arg31[%swap3A_1164, %swap3A_1165] : memref<256x256xf32, #tpu.memory_space<vmem>>, vector<256x256xf32>
    tpu.vector_store %arg31[%swap3A_1164, %swap3A_1165], %add3A_1163 {strides = array<i32>} : memref<256x256xf32, #tpu.memory_space<vmem>>, vector<256x256xf32>,
    %eq3A_1167 = arith.constant 31 : i32
    %eq3A_1168 = arith.cmpi eq, %arg0, %eq3A_1167 : i32
    %convert_element_type3A_1169 = arith.extui %eq3A_1168 : i1 to i32
    %cond3A_1170 = arith.constant 0 : i32
    %cond3A_1171 = arith.cmpi ne, %convert_element_type3A_1169, %cond3A_1170 : i32
    scf.if %cond3A_1171 {
      %get3A_1172 = arith.constant 0 : index
      %get3A_1173 = arith.constant 0 : index
      %get3A_1174 = vector.load %arg33[%get3A_1172, %get3A_1173] : memref<1x128xf32, #tpu.memory_space<vmem>>, vector<1x8xf32>
      %mul3A_1175 = arith.constant 3.81469727E-6 : f32
      %mul3A_1176 = vector.broadcast %mul3A_1175 : f32 to vector<1x8xf32>
      %mul3A_1177 = arith.mulf %get3A_1174, %mul3A_1176 : vector<1x8xf32>
      %mul3A_1178 = arith.mulf %mul3A_1177, %mul3A_1177 : vector<1x8xf32>
      %reduce_sum3A_1179 = vector.shape_cast %mul3A_1178 : vector<1x8xf32> to vector<1x1x8xf32>
      %reduce_sum3A_1180 = arith.constant dense<0.000000e+00> : vector<1xf32>
      %reduce_sum3A_1181 = vector.multi_reduction <add>, %reduce_sum3A_1179, %reduce_sum3A_1180 [1, 2] : vector<1x1x8xf32> to vector<1xf32>
      %reduce_sum3A_1182 = vector.shape_cast %reduce_sum3A_1181 : vector<1xf32> to vector<1x1x1xf32>
      %reduce_sum3A_1183 = vector.extract %reduce_sum3A_1182[0, 0, 0] : f32 from vector<1x1x1xf32>
      %broadcast_in_dim3A_1184 = vector.broadcast %reduce_sum3A_1183 : f32 to vector<1x1xf32>
      %sub3A_1185 = arith.constant 1.250000e-01 : f32
      %sub3A_1186 = vector.broadcast %sub3A_1185 : f32 to vector<1x1xf32>
      %sub3A_1187 = arith.subf %broadcast_in_dim3A_1184, %sub3A_1186 : vector<1x1xf32>
      %mul3A_1188 = arith.constant 1.14285719 : f32
      %mul3A_1189 = vector.broadcast %mul3A_1188 : f32 to vector<1x1xf32>
      %mul3A_1190 = arith.mulf %sub3A_1187, %mul3A_1189 : vector<1x1xf32>
      %get3A_1191 = arith.constant 0 : index
      %get3A_1192 = arith.constant 8 : index
      %get3A_1193 = vector.load %arg33[%get3A_1191, %get3A_1192] : memref<1x128xf32, #tpu.memory_space<vmem>>, vector<1x1xf32>
      %mul3A_1194 = arith.constant 3.81469727E-6 : f32
      %mul3A_1195 = vector.broadcast %mul3A_1194 : f32 to vector<1x1xf32>
      %mul3A_1196 = arith.mulf %get3A_1193, %mul3A_1195 : vector<1x1xf32>
      %sub3A_1197 = arith.constant 1.000000e+00 : f32
      %sub3A_1198 = vector.broadcast %sub3A_1197 : f32 to vector<1x1xf32>
      %sub3A_1199 = arith.subf %sub3A_1198, %mul3A_1196 : vector<1x1xf32>
      %mul3A_1200 = arith.constant 1.000000e-01 : f32
      %mul3A_1201 = vector.broadcast %mul3A_1200 : f32 to vector<1x1xf32>
      %mul3A_1202 = arith.mulf %mul3A_1201, %mul3A_1190 : vector<1x1xf32>
      %mul3A_1203 = arith.constant 2.000000e-02 : f32
      %mul3A_1204 = vector.broadcast %mul3A_1203 : f32 to vector<1x1xf32>
      %mul3A_1205 = arith.mulf %mul3A_1204, %sub3A_1199 : vector<1x1xf32>
      %add3A_1206 = arith.addf %mul3A_1202, %mul3A_1205 : vector<1x1xf32>
      %max3A_1207 = arith.constant 1.200000e-03 : f32
      %max3A_1208 = vector.broadcast %max3A_1207 : f32 to vector<1x1xf32>
      %max3A_1209 = arith.maximumf %add3A_1206, %max3A_1208 : vector<1x1xf32>
      %sub3A_1210 = arith.constant 1.200000e-03 : f32
      %sub3A_1211 = vector.broadcast %sub3A_1210 : f32 to vector<1x1xf32>
      %sub3A_1212 = arith.subf %max3A_1209, %sub3A_1211 : vector<1x1xf32>
      %mul3A_1213 = arith.constant 1.01010096 : f32
      %mul3A_1214 = vector.broadcast %mul3A_1213 : f32 to vector<1x1xf32>
      %mul3A_1215 = arith.mulf %sub3A_1212, %mul3A_1214 : vector<1x1xf32>
      %swap3A_1216 = arith.constant 0 : index
      %swap3A_1217 = arith.constant 0 : index
      %swap3A_1218 = vector.load %arg32[%swap3A_1216, %swap3A_1217] : memref<1x1xf32, #tpu.memory_space<vmem>>, vector<1x1xf32>
      tpu.vector_store %arg32[%swap3A_1216, %swap3A_1217], %mul3A_1215 {strides = array<i32>} : memref<1x1xf32, #tpu.memory_space<vmem>>, vector<1x1xf32>,
    } else {
    }
    return
  }
  func.func @transform_0(%arg0: i32) -> (i32, i32) {
    %c0_i32 = arith.constant 0 : i32
    %c0_i32_0 = arith.constant 0 : i32
    return %arg0, %c0_i32 : i32, i32
  }
  func.func @transform_1(%arg0: i32) -> (i32, i32) {
    %c0_i32 = arith.constant 0 : i32
    %c0_i32_0 = arith.constant 0 : i32
    return %arg0, %c0_i32 : i32, i32
  }
  func.func @transform_2(%arg0: i32) -> (i32, i32) {
    %c0_i32 = arith.constant 0 : i32
    %c0_i32_0 = arith.constant 0 : i32
    return %arg0, %c0_i32 : i32, i32
  }
  func.func @transform_3(%arg0: i32) -> (i32, i32) {
    %c0_i32 = arith.constant 0 : i32
    %c0_i32_0 = arith.constant 0 : i32
    return %arg0, %c0_i32 : i32, i32
  }
  func.func @transform_4(%arg0: i32) -> (i32, i32) {
    %c0_i32 = arith.constant 0 : i32
    %c0_i32_0 = arith.constant 0 : i32
    %c0_i32_1 = arith.constant 0 : i32
    return %c0_i32, %c0_i32_0 : i32, i32
  }
  func.func @transform_5(%arg0: i32) -> (i32, i32) {
    %c0_i32 = arith.constant 0 : i32
    %c0_i32_0 = arith.constant 0 : i32
    %c0_i32_1 = arith.constant 0 : i32
    return %c0_i32, %c0_i32_0 : i32, i32
  }
  func.func @transform_6(%arg0: i32) -> (i32, i32) {
    %c0_i32 = arith.constant 0 : i32
    %c0_i32_0 = arith.constant 0 : i32
    %c0_i32_1 = arith.constant 0 : i32
    return %c0_i32, %c0_i32_0 : i32, i32
  }
  func.func @transform_7(%arg0: i32) -> (i32, i32) {
    %c0_i32 = arith.constant 0 : i32
    %c0_i32_0 = arith.constant 0 : i32
    %c0_i32_1 = arith.constant 0 : i32
    return %c0_i32, %c0_i32_0 : i32, i32
  }
  func.func @transform_8(%arg0: i32) -> (i32, i32) {
    %c0_i32 = arith.constant 0 : i32
    %c0_i32_0 = arith.constant 0 : i32
    %c0_i32_1 = arith.constant 0 : i32
    return %c0_i32, %c0_i32_0 : i32, i32
  }
  func.func @transform_9(%arg0: i32) -> (i32, i32) {
    %c0_i32 = arith.constant 0 : i32
    %c0_i32_0 = arith.constant 0 : i32
    %c0_i32_1 = arith.constant 0 : i32
    return %c0_i32, %c0_i32_0 : i32, i32
  }
  func.func @transform_10(%arg0: i32) -> (i32, i32) {
    %c0_i32 = arith.constant 0 : i32
    %c0_i32_0 = arith.constant 0 : i32
    %c0_i32_1 = arith.constant 0 : i32
    return %c0_i32, %c0_i32_0 : i32, i32
  }
  func.func @transform_11(%arg0: i32) -> (i32, i32) {
    %c0_i32 = arith.constant 0 : i32
    %c0_i32_0 = arith.constant 0 : i32
    %c0_i32_1 = arith.constant 0 : i32
    return %c0_i32, %c0_i32_0 : i32, i32
  }
  func.func @transform_12(%arg0: i32) -> (i32, i32) {
    %c0_i32 = arith.constant 0 : i32
    %c0_i32_0 = arith.constant 0 : i32
    %c0_i32_1 = arith.constant 0 : i32
    return %c0_i32, %c0_i32_0 : i32, i32
  }
  func.func @transform_13(%arg0: i32) -> (i32, i32) {
    %c0_i32 = arith.constant 0 : i32
    %c0_i32_0 = arith.constant 0 : i32
    %c0_i32_1 = arith.constant 0 : i32
    return %c0_i32, %c0_i32_0 : i32, i32
  }
  func.func @transform_14(%arg0: i32) -> (i32, i32) {
    %c0_i32 = arith.constant 0 : i32
    %c0_i32_0 = arith.constant 0 : i32
    %c0_i32_1 = arith.constant 0 : i32
    return %c0_i32, %c0_i32_0 : i32, i32
  }
  func.func @transform_15(%arg0: i32) -> (i32, i32) {
    %c0_i32 = arith.constant 0 : i32
    %c0_i32_0 = arith.constant 0 : i32
    %c0_i32_1 = arith.constant 0 : i32
    return %c0_i32, %c0_i32_0 : i32, i32
  }
  func.func @transform_16(%arg0: i32) -> (i32, i32) {
    %c0_i32 = arith.constant 0 : i32
    %c0_i32_0 = arith.constant 0 : i32
    %c0_i32_1 = arith.constant 0 : i32
    return %c0_i32, %c0_i32_0 : i32, i32
  }
  func.func @transform_17(%arg0: i32) -> (i32, i32) {
    %c0_i32 = arith.constant 0 : i32
    %c0_i32_0 = arith.constant 0 : i32
    %c0_i32_1 = arith.constant 0 : i32
    return %c0_i32, %c0_i32_0 : i32, i32
  }
  func.func @transform_18(%arg0: i32) -> (i32, i32) {
    %c0_i32 = arith.constant 0 : i32
    %c0_i32_0 = arith.constant 0 : i32
    %c0_i32_1 = arith.constant 0 : i32
    return %c0_i32, %c0_i32_0 : i32, i32
  }
  func.func @transform_19(%arg0: i32) -> (i32, i32) {
    %c0_i32 = arith.constant 0 : i32
    %c0_i32_0 = arith.constant 0 : i32
    %c0_i32_1 = arith.constant 0 : i32
    return %c0_i32, %c0_i32_0 : i32, i32
  }
  func.func @transform_20(%arg0: i32) -> (i32, i32) {
    %c0_i32 = arith.constant 0 : i32
    %c0_i32_0 = arith.constant 0 : i32
    %c0_i32_1 = arith.constant 0 : i32
    return %c0_i32, %c0_i32_0 : i32, i32
  }
  func.func @transform_21(%arg0: i32) -> (i32, i32) {
    %c0_i32 = arith.constant 0 : i32
    %c0_i32_0 = arith.constant 0 : i32
    %c0_i32_1 = arith.constant 0 : i32
    return %c0_i32, %c0_i32_0 : i32, i32
  }
  func.func @transform_22(%arg0: i32) -> (i32, i32, i32) {
    %c0_i32 = arith.constant 0 : i32
    %c0_i32_0 = arith.constant 0 : i32
    %c0_i32_1 = arith.constant 0 : i32
    %c0_i32_2 = arith.constant 0 : i32
    return %c0_i32, %c0_i32_0, %c0_i32_1 : i32, i32, i32
  }
  func.func @transform_23(%arg0: i32) -> (i32, i32) {
    %c0_i32 = arith.constant 0 : i32
    %c0_i32_0 = arith.constant 0 : i32
    %c0_i32_1 = arith.constant 0 : i32
    return %c0_i32, %c0_i32_0 : i32, i32
  }
  func.func @transform_24(%arg0: i32) -> (i32, i32) {
    %c0_i32 = arith.constant 0 : i32
    %c0_i32_0 = arith.constant 0 : i32
    %c0_i32_1 = arith.constant 0 : i32
    return %c0_i32, %c0_i32_0 : i32, i32
  }
  func.func @transform_25(%arg0: i32) -> (i32, i32) {
    %c0_i32 = arith.constant 0 : i32
    %c0_i32_0 = arith.constant 0 : i32
    %c0_i32_1 = arith.constant 0 : i32
    return %c0_i32, %c0_i32_0 : i32, i32
  }
  func.func @transform_26(%arg0: i32) -> (i32, i32, i32) {
    %c0_i32 = arith.constant 0 : i32
    %c0_i32_0 = arith.constant 0 : i32
    %c0_i32_1 = arith.constant 0 : i32
    %c0_i32_2 = arith.constant 0 : i32
    return %c0_i32, %c0_i32_0, %c0_i32_1 : i32, i32, i32
  }
  func.func @transform_27(%arg0: i32) -> (i32, i32) {
    %c0_i32 = arith.constant 0 : i32
    %c0_i32_0 = arith.constant 0 : i32
    %c0_i32_1 = arith.constant 0 : i32
    return %c0_i32, %c0_i32_0 : i32, i32
  }
  func.func @transform_28(%arg0: i32) -> (i32, i32, i32) {
    %c0_i32 = arith.constant 0 : i32
    %c0_i32_0 = arith.constant 0 : i32
    %c0_i32_1 = arith.constant 0 : i32
    %c0_i32_2 = arith.constant 0 : i32
    return %c0_i32, %c0_i32_0, %c0_i32_1 : i32, i32, i32
  }
  func.func @transform_29(%arg0: i32) -> (i32, i32) {
    %c0_i32 = arith.constant 0 : i32
    %c0_i32_0 = arith.constant 0 : i32
    %c0_i32_1 = arith.constant 0 : i32
    return %c0_i32, %c0_i32_0 : i32, i32
  }
  func.func @transform_30(%arg0: i32) -> (i32, i32) {
    %c0_i32 = arith.constant 0 : i32
    %c0_i32_0 = arith.constant 0 : i32
    return %arg0, %c0_i32 : i32, i32
  }
  func.func @transform_31(%arg0: i32) -> (i32, i32) {
    %c0_i32 = arith.constant 0 : i32
    %c0_i32_0 = arith.constant 0 : i32
    %c0_i32_1 = arith.constant 0 : i32
    return %c0_i32, %c0_i32_0 : i32, i32
  }
}

</mosaic_0001>

<sc_bundles>
// kernel: _run.4.cloned.1.call-start
scs
__scs_entry_jumppad:
0x0: {  	(pc) =	sbr.rel $0x88, $3  }
0x1: {  	(tag) =	ssettag $0x0;
	lr =	simm.s32 $0x1  }
0x2: {  	[smem:$0x3F84] =	sst lr;
	_ =	strace $0xD0000000  }
0x3: {  	_ = 	snop  }
0x4: {  	_ = 	snop  }
0x5: {  	_ = 	snop  }
0x6: {  	_ = 	snop  }
0x7: {  	_ = 	snop  }
__scs_overlays_trampoline_lowered:
0x8: {  	[smem:$0x3F93] =	sst s0  }
0x9: {  	[smem:$0x3F94] =	sst s1  }
0xa: {  	[smem:$0x3F95] =	sst s2  }
0xb: {  	[smem:$0x3F96] =	sst s3  }
0xc: {  	[smem:$0x3F97] =	sst s4  }
0xd: {  	[smem:$0x3F98] =	sst s5  }
0xe: {  	[smem:$0x3F99] =	sst s6  }
0xf: {  	[smem:$0x3F9A] =	sst s7  }
0x10: {  	[smem:$0x3F9B] =	sst s8  }
0x11: {  	[smem:$0x3F9C] =	sst s9;
	s0 =	simm.s32 @!p0 $0x0  }
0x12: {  	s1 =	sld [smem:$0x3F82];
	s0 =	simm.s32 @p0 $0x1  }
0x13: {  	[smem:$0x3F9D] =	sst s0;
	s0 =	simm.s32 @!p1 $0x0  }
0x14: {  	s2 =	sld [smem:$0x3F81];
	s0 =	simm.s32 @p1 $0x1  }
0x15: {  	[smem:$0x3F9E] =	sst s0;
	s0 =	simm.s32 @!p2 $0x0  }
0x16: {  	s3 =	sld [smem:$0x3FDB];
	s0 =	simm.s32 @p2 $0x1  }
0x17: {  	s4 =	simm.s32 $0x1BF5;
	[smem:$0x3FA0] =	sst s0  }
0x18: {  	s0 =	sld [smem:$0x3F83];
	_ =	swait.ge [sflag:s4], $0x0  }
0x19: {  	s7 =	sld [smem:$0x3F84]  }
0x1a: {  	s8 =	sadd.s32 $0xFFFFE003, lr  }
0x1b: {  	s9 =	sadd.s32 $0xFFFFFEF7, lr;
	s5 =	simm.s32 $0xFFFFFFFF;
	p2 =	slt.u32 s8, $0xFFFFF086  }
0x1c: {  	p1 =	slt.u32 s9, $0xF7A;
	s5 =	simm.s32 @!p2 $0x0  }
0x1d: {  	s5 =	simm.s32 @p1 $0x1;
	p0 =	seq.s32 s7, s2  }
0x1e: {  	s7 =	smul.u32 @!p0 $0xF7A, s2;
	p2 =	seq.s32 @!p0 s5, $0x0  }
0x1f: {  	s9 =	smul.u32 $0xF7A, s1;
	s8 =	simm.s32 @!p0 $0x1BF5;
	p2 =	por !p2, p0  }
0x20: {  	[sflag:s8] =	ssyncset.s32 @!p0 $0xFFFFF086;
	s6 =	sadd.s32 @!p0 s3, s7;
	s7 =	simm.s32 @!p0 $0x108  }
0x21: {  	s3 =	sadd.s32 s3, s9;
	s6 =	sadd.s32 @!p0 $0x88, s6;
	s7 =	simm.s32 @p2 $0x1082  }
0x22: {  	[simem:s7], [sflag:s8] =	dma.local @!p0 [hbm:s6], $0xF7A  }
0x23: {  	s9 =	sor.u32 $0xD0000000, s2;
	s6 =	simm.s32 $0x108;
	_ =	swait.ge @!p0 [sflag:s8], $0x0  }
0x24: {  	s3 =	sadd.s32 $0x88, s3;
	s6 =	simm.s32 @!p1 $0x1082;
	[sflag:s4] =	ssyncset.s32 $0xFFFFF086  }
0x25: {  	[simem:s6], [sflag:s4] =	dma.local [hbm:s3], $0xF7A  }
0x26: {  	[smem:$0x3F84] =	sst s1;
	(tag) =	ssettag s2;
	_ =	strace s9  }
0x27: {  	s1 =	sld [smem:$0x3F94]  }
0x28: {  	s2 =	sld [smem:$0x3F95]  }
0x29: {  	s4 =	sld [smem:$0x3F97]  }
0x2a: {  	p0 =	seq.s32 s5, $0x0;
	s5 =	sld [smem:$0x3F98]  }
0x2b: {  	s6 =	sld [smem:$0x3F99]  }
0x2c: {  	s7 =	sld [smem:$0x3F9A]  }
0x2d: {  	s3 =	simm.s32 $0x108;
	s8 =	sld [smem:$0x3F9B]  }
0x2e: {  	s3 =	simm.s32 @!p0 $0x1082;
	s9 =	sld [smem:$0x3F9C]  }
0x2f: {  	lr =	sadd.s32 s0, s3;
	s0 =	sld [smem:$0x3F93]  }
0x30: {  	s3 =	sld [smem:$0x3F96]  }
0x31: {  	[smem:$0x3F9F] =	sst s10  }
0x32: {  	s10 =	sld [smem:$0x3F9D];
	_ =	sdelay $0x3  }
0x33: {  	p0 =	seq.s32 s10, $0x1;
	s10 =	sld [smem:$0x3F9F];
	_ =	sdelay $0x3  }
0x34: {  	[smem:$0x3F9F] =	sst s10  }
0x35: {  	s10 =	sld [smem:$0x3F9E];
	_ =	sdelay $0x3  }
0x36: {  	p1 =	seq.s32 s10, $0x1;
	s10 =	sld [smem:$0x3F9F];
	_ =	sdelay $0x3  }
0x37: {  	[smem:$0x3F9F] =	sst s10  }
0x38: {  	s10 =	sld [smem:$0x3FA0]  }
0x39: {  	_ = 	snop;
	(pc) =	sbr.ind lr, $3  }
0x3a: {  	_ = 	snop  }
0x3b: {  	_ = 	snop  }
0x3c: {  	p2 =	seq.s32 s10, $0x1;
	s10 =	sld [smem:$0x3F9F]  }
0x3d: {  	_ =	shalt  }
0x3e: {  	_ =	shalt  }
0x3f: {  	_ =	shalt  }
0x40: {  	_ =	shalt  }
0x41: {  	_ =	shalt  }
0x42: {  	_ =	shalt  }
0x43: {  	_ =	shalt  }
0x44: {  	_ =	shalt  }
0x45: {  	_ =	shalt  }
0x46: {  	_ =	shalt  }
0x47: {  	_ =	shalt  }
0x48: {  	_ =	shalt  }
0x49: {  	_ =	shalt  }
0x4a: {  	_ =	shalt  }
0x4b: {  	_ =	shalt  }
0x4c: {  	_ =	shalt  }
0x4d: {  	_ =	shalt  }
0x4e: {  	_ =	shalt  }
0x4f: {  	_ =	shalt  }
0x50: {  	_ =	shalt  }
0x51: {  	_ =	shalt  }
0x52: {  	_ =	shalt  }
0x53: {  	_ =	shalt  }
0x54: {  	_ =	shalt  }
0x55: {  	_ =	shalt  }
0x56: {  	_ =	shalt  }
0x57: {  	_ =	shalt  }
0x58: {  	_ =	shalt  }
0x59: {  	_ =	shalt  }
0x5a: {  	_ =	shalt  }
0x5b: {  	_ =	shalt  }
0x5c: {  	_ =	shalt  }
0x5d: {  	_ =	shalt  }
0x5e: {  	_ =	shalt  }
0x5f: {  	_ =	shalt  }
0x60: {  	_ =	shalt  }
0x61: {  	_ =	shalt  }
0x62: {  	_ =	shalt  }
0x63: {  	_ =	shalt  }
0x64: {  	_ =	shalt  }
0x65: {  	_ =	shalt  }
0x66: {  	_ =	shalt  }
0x67: {  	_ =	shalt  }
0x68: {  	_ =	shalt  }
0x69: {  	_ =	shalt  }
0x6a: {  	_ =	shalt  }
0x6b: {  	_ =	shalt  }
0x6c: {  	_ =	shalt  }
0x6d: {  	_ =	shalt  }
0x6e: {  	_ =	shalt  }
0x6f: {  	_ =	shalt  }
0x70: {  	_ =	shalt  }
0x71: {  	_ =	shalt  }
0x72: {  	_ =	shalt  }
0x73: {  	_ =	shalt  }
0x74: {  	_ =	shalt  }
0x75: {  	_ =	shalt  }
0x76: {  	_ =	shalt  }
0x77: {  	_ =	shalt  }
0x78: {  	_ =	shalt  }
0x79: {  	_ =	shalt  }
0x7a: {  	_ =	shalt  }
0x7b: {  	_ =	shalt  }
0x7c: {  	_ =	shalt  }
0x7d: {  	_ =	shalt  }
0x7e: {  	_ =	shalt  }
0x7f: {  	_ =	shalt  }
0x80: {  	_ =	shalt  }
0x81: {  	_ =	shalt  }
0x82: {  	_ =	shalt  }
0x83: {  	_ =	shalt  }
0x84: {  	_ =	shalt  }
0x85: {  	_ =	shalt  }
0x86: {  	_ =	shalt  }
0x87: {  	_ =	shalt  }
.Lfunc_end0:
.L_simem_size_0:
called_computation_lowered:
.L_overlay_start_0:
0x88: {  	s2 =	sld [smem:$0x3FD9]  }
0x89: {  	s3 =	sld [smem:$0x3FFE];
	_ =	sdelay $0x1  }
0x8a: {  	s1 =	srdreg.scid  }
0x8b: {  	s0 =	sand.u32 $0x1, s1  }
0x8c: {  	s15 =	sshll.u32 s0, $0xA;
	s2 =	sadd.s32 s3, s2  }
0x8d: {  	s2 =	sadd.s32 s2, s15  }
0x8e: {  	[smem:$0x3FAB] =	sst s2  }
0x8f: {  	_ = 	snop  }
0x90: {  	s2 =	sld [smem:$0x3FD0];
	_ =	sdelay $0x1  }
0x91: {  	s16 =	sld [smem:$0x3FC9]  }
0x92: {  	s5 =	simm.s32 $0xA;
	s6 =	simm.s32 $0x10;
	s4 =	sld [smem:$0x3FC1]  }
0x93: {  	[smem:s6], [sflag:s5] =	dma.local [hbm:s2], $0x1  }
0x94: {  	_ =	swait.eq [sflag:s5], $0x1  }
0x95: {  	[sflag:s5] =	ssyncset.done $0x0  }
0x96: {  	[sflag:s5] =	ssyncadd.s32 $0xFFFFFFFF  }
0x97: {  	s17 =	sld [smem:$0x10];
	(tm) =	ssettm $0x1  }
0x98: {  	s18 =	sld [smem:$0x3FFB];
	_ =	sdelay $0x3  }
0x99: {  	_ =	strace s18  }
0x9a: {  	s5 =	sld [smem:$0x3FFC];
	_ =	sdelay $0x3  }
0x9b: {  	_ =	strace s5  }
0x9c: {  	s5 =	sld [smem:$0x3FFD];
	_ =	sdelay $0x3  }
0x9d: {  	_ =	strace s5  }
0x9e: {  	_ =	strace $0x8FFFFFFF  }
0x9f: {  	s19 =	sld [smem:$0x3FDB];
	_ =	sdelay $0x1  }
0xa0: {  	s20 =	simm.s32 $_scs_section_size  }
0xa1: {  	s7 =	simm.s32 $_size__tile_overlayer_lowered;
	s8 =	simm.s32 $_tile_overlayer_lowered  }
0xa2: {  	s23 =	simm.s32 $0x1BFF;
	s22 =	sshll.u32 s8, $0x1;
	s5 =	sadd.s32 s20, s19  }
0xa3: {  	s9 =	simm.s32 $0x0;
	s21 =	sshll.u32 s7, $0x1;
	s7 =	sadd.s32 s22, s5  }
0xa4: {  	[timem:s9], [sflag:s23] =	dma.local [hbm:s7], s21  }
0xa5: {  	_ =	swait.ge [sflag:s23], s21  }
0xa6: {  	s6 =	ssub.s32 $0x0, s21;
	[sflag:s23] =	ssyncset.done $0x0  }
0xa7: {  	[sflag:s23] =	ssyncadd.s32 s6;
	_ =	sdelay $0x1  }
0xa8: {  	s24 =	simm.s32 $0x1B8B  }
0xa9: {  	_ =	swait.ge [sflag:s24], $0x1  }
0xaa: {  	[sflag:s24] =	ssyncset.done $0x0  }
0xab: {  	s25 =	simm.s32 $0x1B8E;
	[sflag:s24] =	ssyncadd.s32 $0xFFFFFFFF  }
0xac: {  	s26 =	simm.s32 $execute0_lowered;
	[smem:$0x3FD2] =	sst s25  }
0xad: {  	s6 =	sshll.u32 s26, $0x1;
	_ =	strace $0x80000046;
	[dreg:$0x1] =	wrdreg $0xFFFFFFFF  }
0xae: {  	s28 =	simm.s32 $_size_execute0_lowered;
	s5 =	sadd.s32 s5, s6;
	[dreg:$0x0] =	wrdreg $0x0  }
0xaf: {  	s6 =	sshll.u32 s28, $0x1;
	[dreg:$0x2] =	wrdreg s5  }
0xb0: {  	[dreg:$0x3] =	wrdreg s6  }
0xb1: {  	[dreg:$0x4] =	wrdreg $0xC0  }
0xb2: {  	_ =	task [dreg:s9], $0x5FFFF  }
0xb3: {  	[dreg:$0x1] =	wrdreg $0xFFFFFFFF  }
0xb4: {  	[dreg:$0x0] =	wrdreg $0x60  }
0xb5: {  	[dreg:$0x2] =	wrdreg s4  }
0xb6: {  	[dreg:$0x3] =	wrdreg s16  }
0xb7: {  	[dreg:$0x4] =	wrdreg s17  }
0xb8: {  	[dreg:$0x5] =	wrdreg $0x9  }
0xb9: {  	_ =	task.clear_ibuf [dreg:s9], $0x6FFFF;
	_ =	strace $0x90000046  }
0xba: {  	s29 =	simm.s32 $0x9;
	_ =	strace $0x80000048  }
0xbb: {  	_ =	swait.ge [sflag:s29], $0x1  }
0xbc: {  	[sflag:s29] =	ssyncadd.s32 $0xFFFFFFFF  }
0xbd: {  	_ =	strace $0x90000048  }
0xbe: {  	_ =	sfence  }
0xbf: {  	s30 =	sld [smem:$0x0];
	_ =	sdelay $0x2  }
0xc0: {  	s31 =	sshll.u32 s1, $0xD;
	s1 =	sshrl.u32 s1, $0x2  }
0xc1: {  	s3 =	sand.u32 $0x4000, s31;
	s1 =	sadd.s32 s1, s30  }
0xc2: {  	s0 =	sor.u32 s3, s0;
	s1 =	sshll.u32 s1, $0x11  }
0xc3: {  	s0 =	sor.u32 s1, s0  }
0xc4: {  	s0 =	sadd.s32 $0x8F2B, s0  }
0xc5: {  	[sflag:s0] =	ssyncadd.remote.s32 $0x1  }
0xc6: {  	_ =	sfence.sel $0xFFFF  }
0xc7: {  	[dreg:$0x0] =	wrdreg $0xFFFFFFFF;
	(pc) =	sbr.abs _section_cstart, $3  }
0xc8: {  	[dreg:$0x1] =	wrdreg $0xFFFFFFFF  }
0xc9: {  	_ =	task.clear_ibuf [dreg:s9], $0x2FFFF;
	_ =	strace $0x9FFFFFFF  }
0xca: {  	(tm) =	ssettm $0x7FFFFFFF  }
0xcb: {  	_ =	shalt  }
tec
execute0_lowered:
.L_overlay_start_1:
0x0: {  	(tag) =	ssettag $0x1  }
0x1: {  	s1 =	rddreg [dreg:$0x0]  }
0x2: {  	s2 =	srdreg.scid;
	s4 =	rddreg [dreg:$0x1]  }
0x3: {  	s0 =	stileid.u32;
	s5 =	rddreg [dreg:$0x2]  }
0x4: {  	s3 =	simm.s32 $0x0;
	s19 =	simm.s32 $0x900;
	s20 =	simm.s32 $0x1100  }
0x5: {  	s21 =	simm.s32 $0x1900;
	s23 =	simm.s32 $0x2100;
	s24 =	simm.s32 $0x2900  }
0x6: {  	s25 =	simm.s32 $0x3100;
	s26 =	simm.s32 $0x3900;
	s8 =	simm.s32 $0x4900  }
0x7: {  	s9 =	simm.s32 $0x5100;
	s10 =	simm.s32 $0x5900;
	s11 =	simm.s32 $0x6100  }
0x8: {  	s12 =	simm.s32 $0x6900;
	s13 =	simm.s32 $0x7100;
	[smem:$0x7FF] =	sst s3  }
0x9: {  	s14 =	simm.s32 $0x7900;
	_ =	strace $0x80000047;
	[dreg:$0x6] =	wrdreg s19  }
0xa: {  	s15 =	simm.s32 $0x8100;
	s16 =	simm.s32 $0x8900;
	[dreg:$0x7] =	wrdreg s20  }
0xb: {  	s17 =	simm.s32 $0x9100;
	s28 =	simm.s32 $0xE100;
	[dreg:$0x8] =	wrdreg s21  }
0xc: {  	s29 =	simm.s32 $0xE900;
	s30 =	simm.s32 $0xF100;
	[dreg:$0x9] =	wrdreg s23  }
0xd: {  	s31 =	simm.s32 $0xF900;
	s2 =	sand.u32 $0x1, s2;
	[dreg:$0xa] =	wrdreg s24  }
0xe: {  	s6 =	sshll.u32 s0, $0x9;
	s7 =	sshll.u32 s2, $0x8;
	[dreg:$0xb] =	wrdreg s25  }
0xf: {  	s2 =	ssub.s32 $0x2, s2;
	[dreg:$0xc] =	wrdreg s26;
	s19 =	simm.s32 $0xA100  }
0x10: {  	s20 =	simm.s32 $0xA900;
	s21 =	simm.s32 $0xB100;
	s23 =	simm.s32 $0xC100  }
0x11: {  	s24 =	simm.s32 $0xC900;
	s25 =	simm.s32 $0xD100;
	s6 =	sor.u32 s7, s6  }
0x12: {  	s26 =	simm.s32 $0xD900;
	s22 =	sshrl.u32 s2, $0x1;
	s7 =	sshrl.u32 s6, $0x3  }
0x13: {  	s6 =	sshll.u32 s6, $0x5;
	s2 =	ssub.s32 s2, s22;
	s4 =	sadd.s32 s4, s7  }
0x14: {  	v2 =	vlaneseq.u32;
	s22 =	simm.s32 $0xB900;
	s18 =	sadd.s32 s5, s6;
	[dreg:$0x4] =	wrdreg s4  }
0x15: {  	vm0 =	vmmov $0xffff;
	v1 =	vshrl.u32 v2, $0x3;
	s5 =	simm.s32 $0x2;
	s6 =	simm.s32 $0x100;
	[dreg:$0x5] =	wrdreg s18  }
0x16: {  	v0 =	vand.u32 $0x7, v2;
	v2 =	vor.u32 $0x8, v2;
	v1 =	vmul.u32 $0x8, v1;
	s4 =	smax.u32 s2, $0x1;
	s18 =	simm.s32 $0x9900;
	s2 =	simm.s32 $0x1  }
.LBB2_1:
0x17: {  	s0 =	rddreg [dreg:$0x4]  }
0x18: {  	[tilespmem:s3], [sflag:$0x2] =	stream.linear.gather [hbm4b:s0+s3], $0x100, $0x38;
	[tilespmem:$0x10100] =	vst v63  }
0x19: {  	_ =	swait.ge [sflag:s5], $0x100  }
0x1a: {  	[sflag:s5] =	ssyncset.done $0x0  }
0x1b: {  	[sflag:s5] =	ssyncadd.s32 $0xFFFFFF00  }
0x1c: {  	v3 =	vld [tilespmem:$0x0];
	_ =	sdelay $0x4  }
0x1d: {  	v4 =	vshll.u32 v3, $0x1  }
0x1e: {  	v3 =	vand.u32 $0x7, v3;
	v4 =	vand.u32 $0xFFFFFFF0, v4  }
0x1f: {  	v3 =	vor.u32 v3, v4  }
0x20: {  	v4 =	vperm.xlane v3, v0;
	_ =	sdelay $0x1  }
0x21: {  	v3 =	vperm.xlane v3, v2;
	v4 =	vadd.s32 v1, v4;
	_ =	sdelay $0x1  }
0x22: {  	v3 =	vadd.s32 v1, v3;
	_ =	sdelay $0x2  }
0x23: {  	[tilespmem:s6], [sflag:$0x1] =	stream.indirect_vreg.gather [hbm4b:s1+s3], $0x80, v4, vm0, $0xb8;
	[tilespmem:$0x10100] =	vst v63  }
0x24: {  	s7 =	rddreg [dreg:$0x6]  }
0x25: {  	[tilespmem:s7], [sflag:$0x1] =	stream.indirect_vreg.gather [hbm4b:s1+s3], $0x80, v3, vm0, $0xb8;
	[tilespmem:$0x10100] =	vst v63  }
0x26: {  	v3 =	vld [tilespmem:$0x10];
	_ =	sdelay $0x4  }
0x27: {  	v49 =	vshll.u32 v3, $0x1  }
0x28: {  	v3 =	vand.u32 $0x7, v3;
	v4 =	vand.u32 $0xFFFFFFF0, v49  }
0x29: {  	v3 =	vor.u32 v3, v4  }
0x2a: {  	v4 =	vperm.xlane v3, v0;
	_ =	sdelay $0x1  }
0x2b: {  	v3 =	vperm.xlane v3, v2;
	v4 =	vadd.s32 v1, v4;
	_ =	sdelay $0x1  }
0x2c: {  	v3 =	vadd.s32 v1, v3;
	_ =	sdelay $0x1  }
0x2d: {  	s0 =	rddreg [dreg:$0x7]  }
0x2e: {  	[tilespmem:s0], [sflag:$0x1] =	stream.indirect_vreg.gather [hbm4b:s1+s3], $0x80, v4, vm0, $0xb8;
	[tilespmem:$0x10100] =	vst v63  }
0x2f: {  	s7 =	rddreg [dreg:$0x8]  }
0x30: {  	[tilespmem:s7], [sflag:$0x1] =	stream.indirect_vreg.gather [hbm4b:s1+s3], $0x80, v3, vm0, $0xb8;
	[tilespmem:$0x10100] =	vst v63  }
0x31: {  	v3 =	vld [tilespmem:$0x20];
	_ =	sdelay $0x4  }
0x32: {  	v50 =	vshll.u32 v3, $0x1  }
0x33: {  	v3 =	vand.u32 $0x7, v3;
	v4 =	vand.u32 $0xFFFFFFF0, v50  }
0x34: {  	v3 =	vor.u32 v3, v4  }
0x35: {  	v4 =	vperm.xlane v3, v0;
	_ =	sdelay $0x1  }
0x36: {  	v3 =	vperm.xlane v3, v2;
	v4 =	vadd.s32 v1, v4;
	_ =	sdelay $0x1  }
0x37: {  	v3 =	vadd.s32 v1, v3;
	_ =	sdelay $0x1  }
0x38: {  	s0 =	rddreg [dreg:$0x9]  }
0x39: {  	[tilespmem:s0], [sflag:$0x1] =	stream.indirect_vreg.gather [hbm4b:s1+s3], $0x80, v4, vm0, $0xb8;
	[tilespmem:$0x10100] =	vst v63  }
0x3a: {  	s7 =	rddreg [dreg:$0xa]  }
0x3b: {  	[tilespmem:s7], [sflag:$0x1] =	stream.indirect_vreg.gather [hbm4b:s1+s3], $0x80, v3, vm0, $0xb8;
	[tilespmem:$0x10100] =	vst v63  }
0x3c: {  	v3 =	vld [tilespmem:$0x30];
	_ =	sdelay $0x4  }
0x3d: {  	v51 =	vshll.u32 v3, $0x1  }
0x3e: {  	v3 =	vand.u32 $0x7, v3;
	v4 =	vand.u32 $0xFFFFFFF0, v51  }
0x3f: {  	v3 =	vor.u32 v3, v4  }
0x40: {  	v4 =	vperm.xlane v3, v0;
	_ =	sdelay $0x1  }
0x41: {  	v3 =	vperm.xlane v3, v2;
	v4 =	vadd.s32 v1, v4;
	_ =	sdelay $0x1  }
0x42: {  	v3 =	vadd.s32 v1, v3;
	_ =	sdelay $0x1  }
0x43: {  	s0 =	rddreg [dreg:$0xb]  }
0x44: {  	[tilespmem:s0], [sflag:$0x1] =	stream.indirect_vreg.gather [hbm4b:s1+s3], $0x80, v4, vm0, $0xb8;
	[tilespmem:$0x10100] =	vst v63  }
0x45: {  	s7 =	rddreg [dreg:$0xc]  }
0x46: {  	[tilespmem:s7], [sflag:$0x1] =	stream.indirect_vreg.gather [hbm4b:s1+s3], $0x80, v3, vm0, $0xb8;
	[tilespmem:$0x10100] =	vst v63  }
0x47: {  	v3 =	vld [tilespmem:$0x40];
	_ =	sdelay $0x4  }
0x48: {  	v52 =	vshll.u32 v3, $0x1  }
0x49: {  	v3 =	vand.u32 $0x7, v3;
	v4 =	vand.u32 $0xFFFFFFF0, v52  }
0x4a: {  	v3 =	vor.u32 v3, v4  }
0x4b: {  	v4 =	vperm.xlane v3, v0;
	_ =	sdelay $0x1  }
0x4c: {  	v3 =	vperm.xlane v3, v2;
	v4 =	vadd.s32 v1, v4;
	_ =	sdelay $0x1  }
0x4d: {  	v3 =	vadd.s32 v1, v3;
	_ =	sdelay $0x1  }
0x4e: {  	s7 =	simm.s32 $0x4100  }
0x4f: {  	[tilespmem:s7], [sflag:$0x1] =	stream.indirect_vreg.gather [hbm4b:s1+s3], $0x80, v4, vm0, $0xb8;
	[tilespmem:$0x10100] =	vst v63  }
0x50: {  	_ = 	snop  }
0x51: {  	[tilespmem:s8], [sflag:$0x1] =	stream.indirect_vreg.gather [hbm4b:s1+s3], $0x80, v3, vm0, $0xb8;
	[tilespmem:$0x10100] =	vst v63  }
0x52: {  	v3 =	vld [tilespmem:$0x50];
	_ =	sdelay $0x4  }
0x53: {  	v53 =	vshll.u32 v3, $0x1  }
0x54: {  	v3 =	vand.u32 $0x7, v3;
	v4 =	vand.u32 $0xFFFFFFF0, v53  }
0x55: {  	v3 =	vor.u32 v3, v4  }
0x56: {  	v4 =	vperm.xlane v3, v0;
	_ =	sdelay $0x1  }
0x57: {  	v3 =	vperm.xlane v3, v2;
	v4 =	vadd.s32 v1, v4;
	_ =	sdelay $0x1  }
0x58: {  	v3 =	vadd.s32 v1, v3;
	_ =	sdelay $0x2  }
0x59: {  	[tilespmem:s9], [sflag:$0x1] =	stream.indirect_vreg.gather [hbm4b:s1+s3], $0x80, v4, vm0, $0xb8;
	[tilespmem:$0x10100] =	vst v63  }
0x5a: {  	_ = 	snop  }
0x5b: {  	[tilespmem:s10], [sflag:$0x1] =	stream.indirect_vreg.gather [hbm4b:s1+s3], $0x80, v3, vm0, $0xb8;
	[tilespmem:$0x10100] =	vst v63  }
0x5c: {  	v3 =	vld [tilespmem:$0x60];
	_ =	sdelay $0x4  }
0x5d: {  	v54 =	vshll.u32 v3, $0x1  }
0x5e: {  	v3 =	vand.u32 $0x7, v3;
	v4 =	vand.u32 $0xFFFFFFF0, v54  }
0x5f: {  	v3 =	vor.u32 v3, v4  }
0x60: {  	v4 =	vperm.xlane v3, v0;
	_ =	sdelay $0x1  }
0x61: {  	v3 =	vperm.xlane v3, v2;
	v4 =	vadd.s32 v1, v4;
	_ =	sdelay $0x1  }
0x62: {  	v3 =	vadd.s32 v1, v3;
	_ =	sdelay $0x2  }
0x63: {  	[tilespmem:s11], [sflag:$0x1] =	stream.indirect_vreg.gather [hbm4b:s1+s3], $0x80, v4, vm0, $0xb8;
	[tilespmem:$0x10100] =	vst v63  }
0x64: {  	_ = 	snop  }
0x65: {  	[tilespmem:s12], [sflag:$0x1] =	stream.indirect_vreg.gather [hbm4b:s1+s3], $0x80, v3, vm0, $0xb8;
	[tilespmem:$0x10100] =	vst v63  }
0x66: {  	v3 =	vld [tilespmem:$0x70];
	_ =	sdelay $0x4  }
0x67: {  	v55 =	vshll.u32 v3, $0x1  }
0x68: {  	v3 =	vand.u32 $0x7, v3;
	v4 =	vand.u32 $0xFFFFFFF0, v55  }
0x69: {  	v3 =	vor.u32 v3, v4  }
0x6a: {  	v4 =	vperm.xlane v3, v0;
	_ =	sdelay $0x1  }
0x6b: {  	v3 =	vperm.xlane v3, v2;
	v4 =	vadd.s32 v1, v4;
	_ =	sdelay $0x1  }
0x6c: {  	v3 =	vadd.s32 v1, v3;
	_ =	sdelay $0x2  }
0x6d: {  	[tilespmem:s13], [sflag:$0x1] =	stream.indirect_vreg.gather [hbm4b:s1+s3], $0x80, v4, vm0, $0xb8;
	[tilespmem:$0x10100] =	vst v63  }
0x6e: {  	_ = 	snop  }
0x6f: {  	[tilespmem:s14], [sflag:$0x1] =	stream.indirect_vreg.gather [hbm4b:s1+s3], $0x80, v3, vm0, $0xb8;
	[tilespmem:$0x10100] =	vst v63  }
0x70: {  	v3 =	vld [tilespmem:$0x80];
	_ =	sdelay $0x4  }
0x71: {  	v56 =	vshll.u32 v3, $0x1  }
0x72: {  	v3 =	vand.u32 $0x7, v3;
	v4 =	vand.u32 $0xFFFFFFF0, v56  }
0x73: {  	v3 =	vor.u32 v3, v4  }
0x74: {  	v4 =	vperm.xlane v3, v0;
	_ =	sdelay $0x1  }
0x75: {  	v3 =	vperm.xlane v3, v2;
	v4 =	vadd.s32 v1, v4;
	_ =	sdelay $0x1  }
0x76: {  	v3 =	vadd.s32 v1, v3;
	_ =	sdelay $0x2  }
0x77: {  	[tilespmem:s15], [sflag:$0x1] =	stream.indirect_vreg.gather [hbm4b:s1+s3], $0x80, v4, vm0, $0xb8;
	[tilespmem:$0x10100] =	vst v63  }
0x78: {  	_ = 	snop  }
0x79: {  	[tilespmem:s16], [sflag:$0x1] =	stream.indirect_vreg.gather [hbm4b:s1+s3], $0x80, v3, vm0, $0xb8;
	[tilespmem:$0x10100] =	vst v63  }
0x7a: {  	v3 =	vld [tilespmem:$0x90];
	_ =	sdelay $0x4  }
0x7b: {  	v57 =	vshll.u32 v3, $0x1  }
0x7c: {  	v3 =	vand.u32 $0x7, v3;
	v4 =	vand.u32 $0xFFFFFFF0, v57  }
0x7d: {  	v3 =	vor.u32 v3, v4  }
0x7e: {  	v4 =	vperm.xlane v3, v0;
	_ =	sdelay $0x1  }
0x7f: {  	v3 =	vperm.xlane v3, v2;
	v4 =	vadd.s32 v1, v4;
	_ =	sdelay $0x1  }
0x80: {  	v3 =	vadd.s32 v1, v3;
	_ =	sdelay $0x2  }
0x81: {  	[tilespmem:s17], [sflag:$0x1] =	stream.indirect_vreg.gather [hbm4b:s1+s3], $0x80, v4, vm0, $0xb8;
	[tilespmem:$0x10100] =	vst v63  }
0x82: {  	_ = 	snop  }
0x83: {  	[tilespmem:s18], [sflag:$0x1] =	stream.indirect_vreg.gather [hbm4b:s1+s3], $0x80, v3, vm0, $0xb8;
	[tilespmem:$0x10100] =	vst v63  }
0x84: {  	v3 =	vld [tilespmem:$0xA0];
	_ =	sdelay $0x4  }
0x85: {  	v58 =	vshll.u32 v3, $0x1  }
0x86: {  	v3 =	vand.u32 $0x7, v3;
	v4 =	vand.u32 $0xFFFFFFF0, v58  }
0x87: {  	v3 =	vor.u32 v3, v4  }
0x88: {  	v4 =	vperm.xlane v3, v0;
	_ =	sdelay $0x1  }
0x89: {  	v3 =	vperm.xlane v3, v2;
	v4 =	vadd.s32 v1, v4;
	_ =	sdelay $0x1  }
0x8a: {  	v3 =	vadd.s32 v1, v3;
	_ =	sdelay $0x2  }
0x8b: {  	[tilespmem:s19], [sflag:$0x1] =	stream.indirect_vreg.gather [hbm4b:s1+s3], $0x80, v4, vm0, $0xb8;
	[tilespmem:$0x10100] =	vst v63  }
0x8c: {  	_ = 	snop  }
0x8d: {  	[tilespmem:s20], [sflag:$0x1] =	stream.indirect_vreg.gather [hbm4b:s1+s3], $0x80, v3, vm0, $0xb8;
	[tilespmem:$0x10100] =	vst v63  }
0x8e: {  	v3 =	vld [tilespmem:$0xB0];
	_ =	sdelay $0x4  }
0x8f: {  	v59 =	vshll.u32 v3, $0x1  }
0x90: {  	v3 =	vand.u32 $0x7, v3;
	v4 =	vand.u32 $0xFFFFFFF0, v59  }
0x91: {  	v3 =	vor.u32 v3, v4  }
0x92: {  	v4 =	vperm.xlane v3, v0;
	_ =	sdelay $0x1  }
0x93: {  	v3 =	vperm.xlane v3, v2;
	v4 =	vadd.s32 v1, v4;
	_ =	sdelay $0x1  }
0x94: {  	v3 =	vadd.s32 v1, v3;
	_ =	sdelay $0x2  }
0x95: {  	[tilespmem:s21], [sflag:$0x1] =	stream.indirect_vreg.gather [hbm4b:s1+s3], $0x80, v4, vm0, $0xb8;
	[tilespmem:$0x10100] =	vst v63  }
0x96: {  	_ = 	snop  }
0x97: {  	[tilespmem:s22], [sflag:$0x1] =	stream.indirect_vreg.gather [hbm4b:s1+s3], $0x80, v3, vm0, $0xb8;
	[tilespmem:$0x10100] =	vst v63  }
0x98: {  	v3 =	vld [tilespmem:$0xC0];
	_ =	sdelay $0x4  }
0x99: {  	v60 =	vshll.u32 v3, $0x1  }
0x9a: {  	v3 =	vand.u32 $0x7, v3;
	v4 =	vand.u32 $0xFFFFFFF0, v60  }
0x9b: {  	v3 =	vor.u32 v3, v4  }
0x9c: {  	v4 =	vperm.xlane v3, v0;
	_ =	sdelay $0x1  }
0x9d: {  	v3 =	vperm.xlane v3, v2;
	v4 =	vadd.s32 v1, v4;
	_ =	sdelay $0x1  }
0x9e: {  	v3 =	vadd.s32 v1, v3;
	_ =	sdelay $0x2  }
0x9f: {  	[tilespmem:s23], [sflag:$0x1] =	stream.indirect_vreg.gather [hbm4b:s1+s3], $0x80, v4, vm0, $0xb8;
	[tilespmem:$0x10100] =	vst v63  }
0xa0: {  	_ = 	snop  }
0xa1: {  	[tilespmem:s24], [sflag:$0x1] =	stream.indirect_vreg.gather [hbm4b:s1+s3], $0x80, v3, vm0, $0xb8;
	[tilespmem:$0x10100] =	vst v63  }
0xa2: {  	v3 =	vld [tilespmem:$0xD0];
	_ =	sdelay $0x4  }
0xa3: {  	v61 =	vshll.u32 v3, $0x1  }
0xa4: {  	v3 =	vand.u32 $0x7, v3;
	v4 =	vand.u32 $0xFFFFFFF0, v61  }
0xa5: {  	v3 =	vor.u32 v3, v4  }
0xa6: {  	v4 =	vperm.xlane v3, v0;
	_ =	sdelay $0x1  }
0xa7: {  	v3 =	vperm.xlane v3, v2;
	v4 =	vadd.s32 v1, v4;
	_ =	sdelay $0x1  }
0xa8: {  	v3 =	vadd.s32 v1, v3;
	_ =	sdelay $0x2  }
0xa9: {  	[tilespmem:s25], [sflag:$0x1] =	stream.indirect_vreg.gather [hbm4b:s1+s3], $0x80, v4, vm0, $0xb8;
	[tilespmem:$0x10100] =	vst v63  }
0xaa: {  	_ = 	snop  }
0xab: {  	[tilespmem:s26], [sflag:$0x1] =	stream.indirect_vreg.gather [hbm4b:s1+s3], $0x80, v3, vm0, $0xb8;
	[tilespmem:$0x10100] =	vst v63  }
0xac: {  	v3 =	vld [tilespmem:$0xE0];
	_ =	sdelay $0x4  }
0xad: {  	v62 =	vshll.u32 v3, $0x1  }
0xae: {  	v3 =	vand.u32 $0x7, v3;
	v4 =	vand.u32 $0xFFFFFFF0, v62  }
0xaf: {  	v3 =	vor.u32 v3, v4  }
0xb0: {  	v4 =	vperm.xlane v3, v0;
	_ =	sdelay $0x1  }
0xb1: {  	v3 =	vperm.xlane v3, v2;
	v4 =	vadd.s32 v1, v4;
	_ =	sdelay $0x1  }
0xb2: {  	v3 =	vadd.s32 v1, v3;
	_ =	sdelay $0x2  }
0xb3: {  	[tilespmem:s28], [sflag:$0x1] =	stream.indirect_vreg.gather [hbm4b:s1+s3], $0x80, v4, vm0, $0xb8;
	[tilespmem:$0x10100] =	vst v63  }
0xb4: {  	_ = 	snop  }
0xb5: {  	[tilespmem:s29], [sflag:$0x1] =	stream.indirect_vreg.gather [hbm4b:s1+s3], $0x80, v3, vm0, $0xb8;
	[tilespmem:$0x10100] =	vst v63  }
0xb6: {  	v3 =	vld [tilespmem:$0xF0];
	_ =	sdelay $0x4  }
0xb7: {  	v63 =	vshll.u32 v3, $0x1  }
0xb8: {  	v3 =	vand.u32 $0x7, v3;
	v4 =	vand.u32 $0xFFFFFFF0, v63  }
0xb9: {  	v3 =	vor.u32 v3, v4  }
0xba: {  	v4 =	vperm.xlane v3, v0;
	_ =	sdelay $0x1  }
0xbb: {  	v3 =	vperm.xlane v3, v2;
	v4 =	vadd.s32 v1, v4;
	_ =	sdelay $0x1  }
0xbc: {  	v3 =	vadd.s32 v1, v3;
	_ =	sdelay $0x2  }
0xbd: {  	[tilespmem:s30], [sflag:$0x1] =	stream.indirect_vreg.gather [hbm4b:s1+s3], $0x80, v4, vm0, $0xb8;
	[tilespmem:$0x10100] =	vst v63  }
0xbe: {  	_ = 	snop  }
0xbf: {  	[tilespmem:s31], [sflag:$0x1] =	stream.indirect_vreg.gather [hbm4b:s1+s3], $0x80, v3, vm0, $0xb8;
	[tilespmem:$0x10100] =	vst v63  }
0xc0: {  	_ =	swait.ge [sflag:s2], $0x10000  }
0xc1: {  	p0 =	sne.s32 s4, $0x1;
	[sflag:s2] =	ssyncset.done $0x0  }
.Ltmp0:
0xc2: {  	s7 =	rddreg [dreg:$0x5];
	[sflag:s2] =	ssyncadd.s32 $0xFFFF0000;
	(pc) =	sbr.rel @p0 .LBB2_1-.Ltmp0, $4  }
0xc3: {  	[hbm4b:s7+s3] =	stream.linear.scatter [tilespmem:s6], [sflag:$0x2], $0x10000, $0x38;
	[tilespmem:$0x10100] =	vst v63  }
0xc4: {  	_ =	swait.ge [sflag:s5], $0x10000  }
0xc5: {  	[sflag:s5] =	ssyncset.done $0x0  }
0xc6: {  	s4 =	sadd.s32 $0xFFFFFFFF, s4;
	[sflag:s5] =	ssyncadd.s32 $0xFFFF0000  }
0xc7: {  	_ =	sfence.sel $0x180000  }
0xc8: {  	[bflag:$0x0] =	sbarrier.arrive $0xFFFF  }
0xc9: {  	_ =	strace $0x90000047  }
0xca: {  	s0 =	stileid.u32;
	[bflag:$0x2] =	sbarrier.arrive $0xFFFF  }
0xcb: {  	p0 =	sne.s32 s0, $0x0;
	s0 =	rddreg [dreg:$0x3]  }
0xcc: {  	s0 =	sadd.s32 @!p0 $0x100000, s0  }
0xcd: {  	[sflag:s0] =	ssyncadd.tile.s32 @!p0 $0x1;
	_ =	shalt  }
.Lfunc_end2:
_tile_overlayer_lowered:
.L_overlay_start_2:
0xce: {  	(tag) =	ssettag $0x2  }
0xcf: {  	s0 =	rddreg [dreg:$0x0];
	s2 =	stileid.u32  }
0xd0: {  	s1 =	rddreg [dreg:$0x1];
	p0 =	sne.s32 s2, $0x0  }
0xd1: {  	s3 =	rddreg [dreg:$0x2];
	[bflag:$0x3] =	sbarrier.arrive $0xFFFF;
	s2 =	simm.s32 @!p0 $0x1C02  }
0xd2: {  	[timem:s3], [sflag:s2] =	dma.local @!p0 [hbm:s0], s1  }
0xd3: {  	s0 =	simm.s32 @!p0 $0x2  }
0xd4: {  	_ =	swait.ge @!p0 [sflag:s0], s1  }
0xd5: {  	s1 =	ssub.s32 @!p0 $0x0, s1;
	[sflag:s0] =	ssyncset.done @!p0 $0x0  }
0xd6: {  	[sflag:s0] =	ssyncadd.s32 @!p0 s1  }
0xd7: {  	[bflag:$0x3] =	sbarrier.arrive $0xFFFF  }
0xd8: {  	_ =	shalt  }

</sc_bundles>
